<compile_context>
chip_gen: v7x
topology: tpu7x:2x2x1
jax: 0.10.2.dev20260603
libtpu: 0.0.44.dev20260713+nightly
codegen_flags: <defaults>
</compile_context>

<pallas_src>
import functools

import jax
import jax.numpy as jnp
from jax import lax
from jax.experimental import pallas as pl
from jax.experimental.pallas import tpu as pltpu
from jax.experimental.pallas import tpu_sc as plsc

N_NODES = 10000
D_IN = 128
D_OUT = 128
N_EDGES = 320000

NW = 32
N_PAD = 10240
ROWS_SUB = N_PAD // 16
E_PAD = NW * 10240
PER_W = E_PAD // NW
CHUNK = 128
CHUNKS = PER_W // CHUNK
INIT_REPS = ROWS_SUB // CHUNK

_MESH = plsc.VectorSubcoreMesh(core_axis_name="c", subcore_axis_name="s")


def _zero16():
    return jnp.zeros((16,), jnp.float32)


def _deg_kernel(dst_hbm, out_hbm, shared, buf, idx):
    c = lax.axis_index("c")
    s = lax.axis_index("s")
    wid = s * 2 + c

    def fill_zero(i, _):
        buf[i, :] = _zero16()
        return 0

    lax.fori_loop(0, CHUNK, fill_zero, 0)
    for r in range(INIT_REPS):
        pltpu.sync_copy(buf, shared.at[pl.ds(s * ROWS_SUB + r * CHUNK, CHUNK)])

    def fill_one(i, _):
        buf[i, :] = _zero16() + 1.0
        return 0

    lax.fori_loop(0, CHUNK, fill_one, 0)
    plsc.subcore_barrier()

    base = wid * PER_W

    def body(g, _):
        pltpu.sync_copy(dst_hbm.at[pl.ds(base + g * CHUNK, CHUNK)], idx)
        pltpu.sync_copy(buf, shared.at[idx], add=True)
        return 0

    lax.fori_loop(0, CHUNKS, body, 0)
    plsc.subcore_barrier()
    pltpu.sync_copy(
        shared.at[pl.ds(s * ROWS_SUB, ROWS_SUB)],
        out_hbm.at[pl.ds(c * N_PAD + s * ROWS_SUB, ROWS_SUB)],
    )


_deg_call = functools.partial(
    pl.kernel,
    mesh=_MESH,
    out_type=jax.ShapeDtypeStruct((2 * N_PAD, 16), jnp.float32),
    scratch_types=[
        pltpu.VMEM_SHARED((N_PAD, 16), jnp.float32),
        pltpu.VMEM((CHUNK, 16), jnp.float32),
        pltpu.VMEM((CHUNK,), jnp.int32),
    ],
)(_deg_kernel)


def _agg_kernel(z_hbm, src_hbm, dst_hbm, out_hbm, shared, rows, sidx, didx):
    c = lax.axis_index("c")
    s = lax.axis_index("s")
    wid = s * 2 + c

    def fill_zero(i, _):
        for d in range(8):
            rows[i, pl.ds(d * 16, 16)] = _zero16()
        return 0

    lax.fori_loop(0, CHUNK, fill_zero, 0)
    for r in range(INIT_REPS):
        pltpu.sync_copy(rows, shared.at[pl.ds(s * ROWS_SUB + r * CHUNK, CHUNK)])
    plsc.subcore_barrier()

    base = wid * PER_W

    def body(g, _):
        pltpu.sync_copy(src_hbm.at[pl.ds(base + g * CHUNK, CHUNK)], sidx)
        pltpu.sync_copy(dst_hbm.at[pl.ds(base + g * CHUNK, CHUNK)], didx)
        pltpu.sync_copy(z_hbm.at[sidx], rows)
        pltpu.sync_copy(rows, shared.at[didx], add=True)
        return 0

    lax.fori_loop(0, CHUNKS, body, 0)
    plsc.subcore_barrier()
    pltpu.sync_copy(
        shared.at[pl.ds(s * ROWS_SUB, ROWS_SUB)],
        out_hbm.at[pl.ds(c * N_PAD + s * ROWS_SUB, ROWS_SUB)],
    )


_agg_call = functools.partial(
    pl.kernel,
    mesh=_MESH,
    out_type=jax.ShapeDtypeStruct((2 * N_PAD, D_IN), jnp.float32),
    scratch_types=[
        pltpu.VMEM_SHARED((N_PAD, D_IN), jnp.float32),
        pltpu.VMEM((CHUNK, D_IN), jnp.float32),
        pltpu.VMEM((CHUNK,), jnp.int32),
        pltpu.VMEM((CHUNK,), jnp.int32),
    ],
)(_agg_kernel)


def _scale_kernel(degp_ref, x_ref, z_ref, deg_ref):
    deg = (
        degp_ref[0:N_NODES, 0:1]
        + degp_ref[N_PAD : N_PAD + N_NODES, 0:1]
        + 1.0
    )
    z_ref[...] = x_ref[...] * lax.rsqrt(deg)
    deg_ref[...] = deg


def _scale_call(degp, x):
    return pl.pallas_call(
        _scale_kernel,
        out_shape=[
            jax.ShapeDtypeStruct((N_NODES, D_IN), jnp.float32),
            jax.ShapeDtypeStruct((N_NODES, 1), jnp.float32),
        ],
    )(degp, x)


_BLK = 1024
_GRID = (N_NODES + _BLK - 1) // _BLK


def _out_kernel(p0_ref, p1_ref, x_ref, deg_ref, w_ref, b_ref, out_ref):
    deg = deg_ref[...]
    p = p0_ref[...] + p1_ref[...]
    yy = p * lax.rsqrt(deg) + x_ref[...] * (1.0 / deg)
    out_ref[...] = (
        jnp.dot(yy, w_ref[...], preferred_element_type=jnp.float32) + b_ref[...]
    )


def _out_call(p, x, deg, wcat, bcat):
    return pl.pallas_call(
        _out_kernel,
        grid=(_GRID,),
        in_specs=[
            pl.BlockSpec((_BLK, D_IN), lambda i: (i, 0)),
            pl.BlockSpec((_BLK, D_IN), lambda i: (i + N_PAD // _BLK, 0)),
            pl.BlockSpec((_BLK, D_IN), lambda i: (i, 0)),
            pl.BlockSpec((_BLK, 1), lambda i: (i, 0)),
            pl.BlockSpec((D_IN, 2 * D_OUT), lambda i: (0, 0)),
            pl.BlockSpec((1, 2 * D_OUT), lambda i: (0, 0)),
        ],
        out_specs=pl.BlockSpec((_BLK, 2 * D_OUT), lambda i: (i, 0)),
        out_shape=jax.ShapeDtypeStruct((N_NODES, 2 * D_OUT), jnp.float32),
    )(p, p, x, deg, wcat, bcat)


def kernel(x, edge_index, W_mu, b_mu, W_logstd, b_logstd):
    ei = edge_index.astype(jnp.int32)
    pad = E_PAD - N_EDGES
    src = jnp.concatenate([ei[0], jnp.zeros((pad,), jnp.int32)])
    dst = jnp.concatenate([ei[1], jnp.full((pad,), N_NODES, jnp.int32)])

    degp = _deg_call(dst)
    z, deg = _scale_call(degp, x)
    p = _agg_call(z, src, dst)

    wcat = jnp.concatenate([W_mu, W_logstd], axis=1)
    bcat = jnp.concatenate([b_mu, b_logstd]).reshape(1, 2 * D_OUT)
    out = _out_call(p, x, deg, wcat, bcat)
    return (out[:, :D_OUT], out[:, D_OUT:])

# --- scband reference (transcript-rebuilt; emitter-appended) ---
"""Pipeline reference for scband-variational-linear-encoder-12472585028063 (READ-ONLY COPY).

The authoritative reference and input builder live on the scoring server;
editing this copy changes nothing except your own understanding.
"""

import jax, jax.numpy as jnp
import numpy as np

N_NODES = 10000
D_IN = 128
D_OUT = 128
N_EDGES = 320000


def _gcn_conv(x, W, b, edge_index, num_nodes):
    # GCNConv: out = D^{-1/2} (A + I) D^{-1/2} (x @ W) + b
    src = edge_index[0]
    dst = edge_index[1]
    loop = jnp.arange(num_nodes, dtype=edge_index.dtype)
    src2 = jnp.concatenate([src, loop])
    dst2 = jnp.concatenate([dst, loop])
    deg = jax.ops.segment_sum(jnp.ones(src2.shape[0], dtype=x.dtype), dst2, num_segments=num_nodes)
    deg_inv_sqrt = jnp.where(deg > 0, jax.lax.rsqrt(deg), 0.0)
    norm = deg_inv_sqrt[src2] * deg_inv_sqrt[dst2]
    h = x @ W
    msgs = h[src2] * norm[:, None]
    out = jax.ops.segment_sum(msgs, dst2, num_segments=num_nodes)
    return out + b


def setup_inputs(seed: int = 0) -> dict:
    key = jax.random.key(seed)
    k1, k2, k3, k4, k5, k6 = jax.random.split(key, 6)
    x = jax.random.normal(k1, (N_NODES, D_IN), dtype=jnp.float32)
    edge_index = jax.random.randint(k2, (2, N_EDGES), 0, N_NODES, dtype=jnp.int64)
    glorot = float(np.sqrt(6.0 / (D_IN + D_OUT)))
    W_mu = jax.random.uniform(k3, (D_IN, D_OUT), dtype=jnp.float32, minval=-glorot, maxval=glorot)
    b_mu = jnp.zeros((D_OUT,), dtype=jnp.float32)
    W_logstd = jax.random.uniform(k4, (D_IN, D_OUT), dtype=jnp.float32, minval=-glorot, maxval=glorot)
    b_logstd = jnp.zeros((D_OUT,), dtype=jnp.float32)
    return {"x": x, "edge_index": edge_index, "W_mu": W_mu, "b_mu": b_mu, "W_logstd": W_logstd, "b_logstd": b_logstd}


def reference(x, edge_index, W_mu, b_mu, W_logstd, b_logstd):
    # eval mode: F.dropout is identity when training=False
    num_nodes = x.shape[0]
    mu = _gcn_conv(x, W_mu, b_mu, edge_index, num_nodes)
    logstd = _gcn_conv(x, W_logstd, b_logstd, edge_index, num_nodes)
    return (mu, logstd)

if __name__ == "__main__":
    import jax
    _d = setup_inputs()
    print(jax.jit(kernel)(*tuple(_d.values())))

</pallas_src>

<mosaic_0001>
#map = affine_map<(d0, d1) -> (0)>
#map1 = affine_map<(d0, d1) -> (0, 0)>
module attributes {stable_mosaic.version = 14 : i64} {
  func.func @_deg_kernel(%arg0: i32, %arg1: i32, %arg2: memref<327680xi32, #tpu.memory_space<hbm>>, %arg3: memref<20480x16xf32, #tpu.memory_space<hbm>>, %arg4: memref<10240x16xf32, #tpu.memory_space<vmem_shared>>, %arg5: memref<128x16xf32, #tpu.memory_space<vmem>>, %arg6: memref<128xi32, #tpu.memory_space<vmem>>) attributes {dimension_semantics = [#tpu.dimension_semantics<core_parallel>, #tpu.dimension_semantics<subcore_parallel>], iteration_bounds = array<i64: 2, 16>, scalar_prefetch = 0 : i64, scratch_operands = 3 : i64, tpu.core_type = #tpu.core_type<sc_vector_subcore>, window_params = [{transform_indices = #map}, {transform_indices = #map1}]} {
    %mul3A = arith.constant 2 : i32
    %mul3A_0 = arith.muli %arg1, %mul3A : i32
    %add3A = arith.addi %mul3A_0, %arg0 : i32
    %scan3A = arith.constant 0 : i32
    %scan3A_1 = arith.constant 0 : i32
    %scan3A_2 = arith.constant 128 : i32
    %scan3A_3 = arith.addi %scan3A_1, %scan3A_2 : i32
    %scan3A_4 = arith.constant 1 : i32
    %scan3A_5 = scf.for %scan3A_51 = %scan3A_1 to %scan3A_3 step %scan3A_4 iter_args(%scan3A_52 = %scan3A) -> (i32)  : i32 {
      %broadcast_in_dim3A = arith.constant 0.000000e+00 : f32
      %broadcast_in_dim3A_53 = vector.broadcast %broadcast_in_dim3A : f32 to vector<16xf32>
      %swap3A = arith.index_cast %scan3A_51 : i32 to index
      %swap3A_54 = arith.constant 0 : index
      %swap3A_55 = tpu.vector_load %arg5[%swap3A, %swap3A_54] {strides = array<i32>} : memref<128x16xf32, #tpu.memory_space<vmem>>, vector<1x16xf32>,
      %swap3A_56 = vector.shape_cast %swap3A_55 : vector<1x16xf32> to vector<16xf32>
      %swap3A_57 = vector.shape_cast %broadcast_in_dim3A_53 : vector<16xf32> to vector<1x16xf32>
      tpu.vector_store %arg5[%swap3A, %swap3A_54], %swap3A_57 {strides = array<i32>} : memref<128x16xf32, #tpu.memory_space<vmem>>, vector<1x16xf32>,
      %scan3A_58 = arith.constant 0 : i32
      scf.yield %scan3A_58 : i32
    }
    %scan3A_6 = arith.constant 128 : i32
    %mul3A_7 = arith.constant 640 : i32
    %mul3A_8 = arith.muli %arg1, %mul3A_7 : i32
    %add3A_9 = arith.constant 0 : i32
    %add3A_10 = arith.addi %mul3A_8, %add3A_9 : i32
    "tpu.region"() ({
      %run_scoped3A = tpu.sem_alloc : memref<!tpu.dma_semaphore, #tpu.memory_space<semaphore_mem>>
      %dma_start3A = arith.constant 0 : i32
      %dma_start3A_51 = tpu.memref_slice %arg4[%add3A_10, %dma_start3A] : memref<10240x16xf32, #tpu.memory_space<vmem_shared>> -> memref<128x16xf32, #tpu.memory_space<vmem_shared>>
      %dma_start3A_52 = arith.constant 0 : i32
      %dma_start3A_53 = tpu.memref_slice %arg4[%add3A_10, %dma_start3A_52] : memref<10240x16xf32, #tpu.memory_space<vmem_shared>> -> memref<128x16xf32, #tpu.memory_space<vmem_shared>>
      tpu.enqueue_dma source(%arg5 : memref<128x16xf32, #tpu.memory_space<vmem>>) target(%dma_start3A_53 : memref<128x16xf32, #tpu.memory_space<vmem_shared>>) target_semaphore(%run_scoped3A : memref<!tpu.dma_semaphore, #tpu.memory_space<semaphore_mem>>)
      %dma_wait3A = arith.constant 0 : i32
      %dma_wait3A_54 = tpu.memref_slice %arg4[%add3A_10, %dma_wait3A] : memref<10240x16xf32, #tpu.memory_space<vmem_shared>> -> memref<128x16xf32, #tpu.memory_space<vmem_shared>>
      %dma_wait3A_55 = arith.constant 0 : i32
      %dma_wait3A_56 = tpu.memref_slice %arg4[%add3A_10, %dma_wait3A_55] : memref<10240x16xf32, #tpu.memory_space<vmem_shared>> -> memref<128x16xf32, #tpu.memory_space<vmem_shared>>
      tpu.wait_dma2 semaphore(%run_scoped3A : memref<!tpu.dma_semaphore, #tpu.memory_space<semaphore_mem>>) src(%arg5 : memref<128x16xf32, #tpu.memory_space<vmem>>) dst(%dma_wait3A_56 : memref<128x16xf32, #tpu.memory_space<vmem_shared>>)
      tpu.yield
    }) : () -> ()
    %mul3A_11 = arith.constant 640 : i32
    %mul3A_12 = arith.muli %arg1, %mul3A_11 : i32
    %add3A_13 = arith.constant 128 : i32
    %add3A_14 = arith.addi %mul3A_12, %add3A_13 : i32
    "tpu.region"() ({
      %run_scoped3A = tpu.sem_alloc : memref<!tpu.dma_semaphore, #tpu.memory_space<semaphore_mem>>
      %dma_start3A = arith.constant 0 : i32
      %dma_start3A_51 = tpu.memref_slice %arg4[%add3A_14, %dma_start3A] : memref<10240x16xf32, #tpu.memory_space<vmem_shared>> -> memref<128x16xf32, #tpu.memory_space<vmem_shared>>
      %dma_start3A_52 = arith.constant 0 : i32
      %dma_start3A_53 = tpu.memref_slice %arg4[%add3A_14, %dma_start3A_52] : memref<10240x16xf32, #tpu.memory_space<vmem_shared>> -> memref<128x16xf32, #tpu.memory_space<vmem_shared>>
      tpu.enqueue_dma source(%arg5 : memref<128x16xf32, #tpu.memory_space<vmem>>) target(%dma_start3A_53 : memref<128x16xf32, #tpu.memory_space<vmem_shared>>) target_semaphore(%run_scoped3A : memref<!tpu.dma_semaphore, #tpu.memory_space<semaphore_mem>>)
      %dma_wait3A = arith.constant 0 : i32
      %dma_wait3A_54 = tpu.memref_slice %arg4[%add3A_14, %dma_wait3A] : memref<10240x16xf32, #tpu.memory_space<vmem_shared>> -> memref<128x16xf32, #tpu.memory_space<vmem_shared>>
      %dma_wait3A_55 = arith.constant 0 : i32
      %dma_wait3A_56 = tpu.memref_slice %arg4[%add3A_14, %dma_wait3A_55] : memref<10240x16xf32, #tpu.memory_space<vmem_shared>> -> memref<128x16xf32, #tpu.memory_space<vmem_shared>>
      tpu.wait_dma2 semaphore(%run_scoped3A : memref<!tpu.dma_semaphore, #tpu.memory_space<semaphore_mem>>) src(%arg5 : memref<128x16xf32, #tpu.memory_space<vmem>>) dst(%dma_wait3A_56 : memref<128x16xf32, #tpu.memory_space<vmem_shared>>)
      tpu.yield
    }) : () -> ()
    %mul3A_15 = arith.constant 640 : i32
    %mul3A_16 = arith.muli %arg1, %mul3A_15 : i32
    %add3A_17 = arith.constant 256 : i32
    %add3A_18 = arith.addi %mul3A_16, %add3A_17 : i32
    "tpu.region"() ({
      %run_scoped3A = tpu.sem_alloc : memref<!tpu.dma_semaphore, #tpu.memory_space<semaphore_mem>>
      %dma_start3A = arith.constant 0 : i32
      %dma_start3A_51 = tpu.memref_slice %arg4[%add3A_18, %dma_start3A] : memref<10240x16xf32, #tpu.memory_space<vmem_shared>> -> memref<128x16xf32, #tpu.memory_space<vmem_shared>>
      %dma_start3A_52 = arith.constant 0 : i32
      %dma_start3A_53 = tpu.memref_slice %arg4[%add3A_18, %dma_start3A_52] : memref<10240x16xf32, #tpu.memory_space<vmem_shared>> -> memref<128x16xf32, #tpu.memory_space<vmem_shared>>
      tpu.enqueue_dma source(%arg5 : memref<128x16xf32, #tpu.memory_space<vmem>>) target(%dma_start3A_53 : memref<128x16xf32, #tpu.memory_space<vmem_shared>>) target_semaphore(%run_scoped3A : memref<!tpu.dma_semaphore, #tpu.memory_space<semaphore_mem>>)
      %dma_wait3A = arith.constant 0 : i32
      %dma_wait3A_54 = tpu.memref_slice %arg4[%add3A_18, %dma_wait3A] : memref<10240x16xf32, #tpu.memory_space<vmem_shared>> -> memref<128x16xf32, #tpu.memory_space<vmem_shared>>
      %dma_wait3A_55 = arith.constant 0 : i32
      %dma_wait3A_56 = tpu.memref_slice %arg4[%add3A_18, %dma_wait3A_55] : memref<10240x16xf32, #tpu.memory_space<vmem_shared>> -> memref<128x16xf32, #tpu.memory_space<vmem_shared>>
      tpu.wait_dma2 semaphore(%run_scoped3A : memref<!tpu.dma_semaphore, #tpu.memory_space<semaphore_mem>>) src(%arg5 : memref<128x16xf32, #tpu.memory_space<vmem>>) dst(%dma_wait3A_56 : memref<128x16xf32, #tpu.memory_space<vmem_shared>>)
      tpu.yield
    }) : () -> ()
    %mul3A_19 = arith.constant 640 : i32
    %mul3A_20 = arith.muli %arg1, %mul3A_19 : i32
    %add3A_21 = arith.constant 384 : i32
    %add3A_22 = arith.addi %mul3A_20, %add3A_21 : i32
    "tpu.region"() ({
      %run_scoped3A = tpu.sem_alloc : memref<!tpu.dma_semaphore, #tpu.memory_space<semaphore_mem>>
      %dma_start3A = arith.constant 0 : i32
      %dma_start3A_51 = tpu.memref_slice %arg4[%add3A_22, %dma_start3A] : memref<10240x16xf32, #tpu.memory_space<vmem_shared>> -> memref<128x16xf32, #tpu.memory_space<vmem_shared>>
      %dma_start3A_52 = arith.constant 0 : i32
      %dma_start3A_53 = tpu.memref_slice %arg4[%add3A_22, %dma_start3A_52] : memref<10240x16xf32, #tpu.memory_space<vmem_shared>> -> memref<128x16xf32, #tpu.memory_space<vmem_shared>>
      tpu.enqueue_dma source(%arg5 : memref<128x16xf32, #tpu.memory_space<vmem>>) target(%dma_start3A_53 : memref<128x16xf32, #tpu.memory_space<vmem_shared>>) target_semaphore(%run_scoped3A : memref<!tpu.dma_semaphore, #tpu.memory_space<semaphore_mem>>)
      %dma_wait3A = arith.constant 0 : i32
      %dma_wait3A_54 = tpu.memref_slice %arg4[%add3A_22, %dma_wait3A] : memref<10240x16xf32, #tpu.memory_space<vmem_shared>> -> memref<128x16xf32, #tpu.memory_space<vmem_shared>>
      %dma_wait3A_55 = arith.constant 0 : i32
      %dma_wait3A_56 = tpu.memref_slice %arg4[%add3A_22, %dma_wait3A_55] : memref<10240x16xf32, #tpu.memory_space<vmem_shared>> -> memref<128x16xf32, #tpu.memory_space<vmem_shared>>
      tpu.wait_dma2 semaphore(%run_scoped3A : memref<!tpu.dma_semaphore, #tpu.memory_space<semaphore_mem>>) src(%arg5 : memref<128x16xf32, #tpu.memory_space<vmem>>) dst(%dma_wait3A_56 : memref<128x16xf32, #tpu.memory_space<vmem_shared>>)
      tpu.yield
    }) : () -> ()
    %mul3A_23 = arith.constant 640 : i32
    %mul3A_24 = arith.muli %arg1, %mul3A_23 : i32
    %add3A_25 = arith.constant 512 : i32
    %add3A_26 = arith.addi %mul3A_24, %add3A_25 : i32
    "tpu.region"() ({
      %run_scoped3A = tpu.sem_alloc : memref<!tpu.dma_semaphore, #tpu.memory_space<semaphore_mem>>
      %dma_start3A = arith.constant 0 : i32
      %dma_start3A_51 = tpu.memref_slice %arg4[%add3A_26, %dma_start3A] : memref<10240x16xf32, #tpu.memory_space<vmem_shared>> -> memref<128x16xf32, #tpu.memory_space<vmem_shared>>
      %dma_start3A_52 = arith.constant 0 : i32
      %dma_start3A_53 = tpu.memref_slice %arg4[%add3A_26, %dma_start3A_52] : memref<10240x16xf32, #tpu.memory_space<vmem_shared>> -> memref<128x16xf32, #tpu.memory_space<vmem_shared>>
      tpu.enqueue_dma source(%arg5 : memref<128x16xf32, #tpu.memory_space<vmem>>) target(%dma_start3A_53 : memref<128x16xf32, #tpu.memory_space<vmem_shared>>) target_semaphore(%run_scoped3A : memref<!tpu.dma_semaphore, #tpu.memory_space<semaphore_mem>>)
      %dma_wait3A = arith.constant 0 : i32
      %dma_wait3A_54 = tpu.memref_slice %arg4[%add3A_26, %dma_wait3A] : memref<10240x16xf32, #tpu.memory_space<vmem_shared>> -> memref<128x16xf32, #tpu.memory_space<vmem_shared>>
      %dma_wait3A_55 = arith.constant 0 : i32
      %dma_wait3A_56 = tpu.memref_slice %arg4[%add3A_26, %dma_wait3A_55] : memref<10240x16xf32, #tpu.memory_space<vmem_shared>> -> memref<128x16xf32, #tpu.memory_space<vmem_shared>>
      tpu.wait_dma2 semaphore(%run_scoped3A : memref<!tpu.dma_semaphore, #tpu.memory_space<semaphore_mem>>) src(%arg5 : memref<128x16xf32, #tpu.memory_space<vmem>>) dst(%dma_wait3A_56 : memref<128x16xf32, #tpu.memory_space<vmem_shared>>)
      tpu.yield
    }) : () -> ()
    %scan3A_27 = arith.constant 0 : i32
    %scan3A_28 = arith.constant 0 : i32
    %scan3A_29 = arith.constant 128 : i32
    %scan3A_30 = arith.addi %scan3A_28, %scan3A_29 : i32
    %scan3A_31 = arith.constant 1 : i32
    %scan3A_32 = scf.for %scan3A_51 = %scan3A_28 to %scan3A_30 step %scan3A_31 iter_args(%scan3A_52 = %scan3A_27) -> (i32)  : i32 {
      %broadcast_in_dim3A = arith.constant 0.000000e+00 : f32
      %broadcast_in_dim3A_53 = vector.broadcast %broadcast_in_dim3A : f32 to vector<16xf32>
      %add3A_54 = arith.constant 1.000000e+00 : f32
      %add3A_55 = vector.broadcast %add3A_54 : f32 to vector<16xf32>
      %add3A_56 = arith.addf %broadcast_in_dim3A_53, %add3A_55 : vector<16xf32>
      %swap3A = arith.index_cast %scan3A_51 : i32 to index
      %swap3A_57 = arith.constant 0 : index
      %swap3A_58 = tpu.vector_load %arg5[%swap3A, %swap3A_57] {strides = array<i32>} : memref<128x16xf32, #tpu.memory_space<vmem>>, vector<1x16xf32>,
      %swap3A_59 = vector.shape_cast %swap3A_58 : vector<1x16xf32> to vector<16xf32>
      %swap3A_60 = vector.shape_cast %add3A_56 : vector<16xf32> to vector<1x16xf32>
      tpu.vector_store %arg5[%swap3A, %swap3A_57], %swap3A_60 {strides = array<i32>} : memref<128x16xf32, #tpu.memory_space<vmem>>, vector<1x16xf32>,
      %scan3A_61 = arith.constant 0 : i32
      scf.yield %scan3A_61 : i32
    }
    %scan3A_33 = arith.constant 128 : i32
    %barrier3A = arith.constant 0 : index
    tpu.barrier barrier_id(%barrier3A)
    %mul3A_34 = arith.constant 10240 : i32
    %mul3A_35 = arith.muli %add3A, %mul3A_34 : i32
    %scan3A_36 = arith.constant 0 : i32
    %scan3A_37 = arith.constant 0 : i32
    %scan3A_38 = arith.constant 80 : i32
    %scan3A_39 = arith.addi %scan3A_37, %scan3A_38 : i32
    %scan3A_40 = arith.constant 1 : i32
    %scan3A_41 = scf.for %scan3A_51 = %scan3A_37 to %scan3A_39 step %scan3A_40 iter_args(%scan3A_52 = %scan3A_36) -> (i32)  : i32 {
      %mul3A_53 = arith.constant 128 : i32
      %mul3A_54 = arith.muli %scan3A_51, %mul3A_53 : i32
      %add3A_55 = arith.addi %mul3A_35, %mul3A_54 : i32
      "tpu.region"() ({
        %run_scoped3A = tpu.sem_alloc : memref<!tpu.dma_semaphore, #tpu.memory_space<semaphore_mem>>
        %dma_start3A = tpu.memref_slice %arg2[%add3A_55] : memref<327680xi32, #tpu.memory_space<hbm>> -> memref<128xi32, #tpu.memory_space<hbm>>
        %dma_start3A_57 = tpu.memref_slice %arg2[%add3A_55] : memref<327680xi32, #tpu.memory_space<hbm>> -> memref<128xi32, #tpu.memory_space<hbm>>
        tpu.enqueue_dma source(%dma_start3A_57 : memref<128xi32, #tpu.memory_space<hbm>>) target(%arg6 : memref<128xi32, #tpu.memory_space<vmem>>) target_semaphore(%run_scoped3A : memref<!tpu.dma_semaphore, #tpu.memory_space<semaphore_mem>>)
        %dma_wait3A = tpu.memref_slice %arg2[%add3A_55] : memref<327680xi32, #tpu.memory_space<hbm>> -> memref<128xi32, #tpu.memory_space<hbm>>
        %dma_wait3A_58 = tpu.memref_slice %arg2[%add3A_55] : memref<327680xi32, #tpu.memory_space<hbm>> -> memref<128xi32, #tpu.memory_space<hbm>>
        tpu.wait_dma2 semaphore(%run_scoped3A : memref<!tpu.dma_semaphore, #tpu.memory_space<semaphore_mem>>) src(%dma_wait3A_58 : memref<128xi32, #tpu.memory_space<hbm>>) dst(%arg6 : memref<128xi32, #tpu.memory_space<vmem>>)
        tpu.yield
      }) : () -> ()
      "tpu.region"() ({
        %run_scoped3A = tpu.sem_alloc : memref<!tpu.dma_semaphore, #tpu.memory_space<semaphore_mem>>
        %dma_start3A = arith.constant 0 : i32
        %dma_start3A_57 = arith.constant 0 : i32
        %dma_start3A_58 = tpu.memref_slice %arg4[%dma_start3A, %dma_start3A_57] : memref<10240x16xf32, #tpu.memory_space<vmem_shared>> -> memref<10240x16xf32, #tpu.memory_space<vmem_shared>>
        tpu.enqueue_indirect_dma source(%arg5 : memref<128x16xf32, #tpu.memory_space<vmem>>) target(%dma_start3A_58 : memref<10240x16xf32, #tpu.memory_space<vmem_shared>>) offsets(%arg6 : memref<128xi32, #tpu.memory_space<vmem>>) semaphore(%run_scoped3A : memref<!tpu.dma_semaphore, #tpu.memory_space<semaphore_mem>>) {add = true}
        %dma_wait3A = arith.constant 0 : i32
        %dma_wait3A_59 = arith.constant 0 : i32
        %dma_wait3A_60 = tpu.memref_slice %arg4[%dma_wait3A, %dma_wait3A_59] : memref<10240x16xf32, #tpu.memory_space<vmem_shared>> -> memref<10240x16xf32, #tpu.memory_space<vmem_shared>>
        tpu.wait_indirect_dma semaphore(%run_scoped3A : memref<!tpu.dma_semaphore, #tpu.memory_space<semaphore_mem>>) src(%arg5 : memref<128x16xf32, #tpu.memory_space<vmem>>) dst(%dma_wait3A_60 : memref<10240x16xf32, #tpu.memory_space<vmem_shared>>)
        tpu.yield
      }) : () -> ()
      %scan3A_56 = arith.constant 0 : i32
      scf.yield %scan3A_56 : i32
    }
    %scan3A_42 = arith.constant 80 : i32
    %barrier3A_43 = arith.constant 0 : index
    tpu.barrier barrier_id(%barrier3A_43)
    %mul3A_44 = arith.constant 640 : i32
    %mul3A_45 = arith.muli %arg1, %mul3A_44 : i32
    %mul3A_46 = arith.constant 10240 : i32
    %mul3A_47 = arith.muli %arg0, %mul3A_46 : i32
    %mul3A_48 = arith.constant 640 : i32
    %mul3A_49 = arith.muli %arg1, %mul3A_48 : i32
    %add3A_50 = arith.addi %mul3A_47, %mul3A_49 : i32
    "tpu.region"() ({
      %run_scoped3A = tpu.sem_alloc : memref<!tpu.dma_semaphore, #tpu.memory_space<semaphore_mem>>
      %dma_start3A = arith.constant 0 : i32
      %dma_start3A_51 = tpu.memref_slice %arg3[%add3A_50, %dma_start3A] : memref<20480x16xf32, #tpu.memory_space<hbm>> -> memref<640x16xf32, #tpu.memory_space<hbm>>
      %dma_start3A_52 = arith.constant 0 : i32
      %dma_start3A_53 = tpu.memref_slice %arg4[%mul3A_45, %dma_start3A_52] : memref<10240x16xf32, #tpu.memory_space<vmem_shared>> -> memref<640x16xf32, #tpu.memory_space<vmem_shared>>
      tpu.enqueue_dma source(%dma_start3A_53 : memref<640x16xf32, #tpu.memory_space<vmem_shared>>) target(%dma_start3A_51 : memref<640x16xf32, #tpu.memory_space<hbm>>) target_semaphore(%run_scoped3A : memref<!tpu.dma_semaphore, #tpu.memory_space<semaphore_mem>>)
      %dma_wait3A = arith.constant 0 : i32
      %dma_wait3A_54 = tpu.memref_slice %arg3[%add3A_50, %dma_wait3A] : memref<20480x16xf32, #tpu.memory_space<hbm>> -> memref<640x16xf32, #tpu.memory_space<hbm>>
      %dma_wait3A_55 = arith.constant 0 : i32
      %dma_wait3A_56 = tpu.memref_slice %arg4[%mul3A_45, %dma_wait3A_55] : memref<10240x16xf32, #tpu.memory_space<vmem_shared>> -> memref<640x16xf32, #tpu.memory_space<vmem_shared>>
      tpu.wait_dma2 semaphore(%run_scoped3A : memref<!tpu.dma_semaphore, #tpu.memory_space<semaphore_mem>>) src(%dma_wait3A_56 : memref<640x16xf32, #tpu.memory_space<vmem_shared>>) dst(%dma_wait3A_54 : memref<640x16xf32, #tpu.memory_space<hbm>>)
      tpu.yield
    }) : () -> ()
    return
  }
}

#map = affine_map<(d0, d1) -> (0, 0)>
#map1 = affine_map<(d0, d1) -> (0)>
module attributes {stable_mosaic.version = 14 : i64} {
  func.func @_agg_kernel(%arg0: i32, %arg1: i32, %arg2: memref<10000x128xf32, #tpu.memory_space<hbm>>, %arg3: memref<327680xi32, #tpu.memory_space<hbm>>, %arg4: memref<327680xi32, #tpu.memory_space<hbm>>, %arg5: memref<20480x128xf32, #tpu.memory_space<hbm>>, %arg6: memref<10240x128xf32, #tpu.memory_space<vmem_shared>>, %arg7: memref<128x128xf32, #tpu.memory_space<vmem>>, %arg8: memref<128xi32, #tpu.memory_space<vmem>>, %arg9: memref<128xi32, #tpu.memory_space<vmem>>) attributes {dimension_semantics = [#tpu.dimension_semantics<core_parallel>, #tpu.dimension_semantics<subcore_parallel>], iteration_bounds = array<i64: 2, 16>, scalar_prefetch = 0 : i64, scratch_operands = 4 : i64, tpu.core_type = #tpu.core_type<sc_vector_subcore>, window_params = [{transform_indices = #map}, {transform_indices = #map1}, {transform_indices = #map1}, {transform_indices = #map}]} {
    %mul3A = arith.constant 2 : i32
    %mul3A_0 = arith.muli %arg1, %mul3A : i32
    %add3A = arith.addi %mul3A_0, %arg0 : i32
    %scan3A = arith.constant 0 : i32
    %scan3A_1 = arith.constant 0 : i32
    %scan3A_2 = arith.constant 128 : i32
    %scan3A_3 = arith.addi %scan3A_1, %scan3A_2 : i32
    %scan3A_4 = arith.constant 1 : i32
    %scan3A_5 = scf.for %scan3A_44 = %scan3A_1 to %scan3A_3 step %scan3A_4 iter_args(%scan3A_45 = %scan3A) -> (i32)  : i32 {
      %broadcast_in_dim3A = arith.constant 0.000000e+00 : f32
      %broadcast_in_dim3A_46 = vector.broadcast %broadcast_in_dim3A : f32 to vector<16xf32>
      %swap3A = arith.index_cast %scan3A_44 : i32 to index
      %swap3A_47 = arith.constant 0 : index
      %swap3A_48 = tpu.vector_load %arg7[%swap3A, %swap3A_47] {strides = array<i32>} : memref<128x128xf32, #tpu.memory_space<vmem>>, vector<1x16xf32>,
      %swap3A_49 = vector.shape_cast %swap3A_48 : vector<1x16xf32> to vector<16xf32>
      %swap3A_50 = vector.shape_cast %broadcast_in_dim3A_46 : vector<16xf32> to vector<1x16xf32>
      tpu.vector_store %arg7[%swap3A, %swap3A_47], %swap3A_50 {strides = array<i32>} : memref<128x128xf32, #tpu.memory_space<vmem>>, vector<1x16xf32>,
      %broadcast_in_dim3A_51 = arith.constant 0.000000e+00 : f32
      %broadcast_in_dim3A_52 = vector.broadcast %broadcast_in_dim3A_51 : f32 to vector<16xf32>
      %swap3A_53 = arith.index_cast %scan3A_44 : i32 to index
      %swap3A_54 = arith.constant 16 : index
      %swap3A_55 = tpu.vector_load %arg7[%swap3A_53, %swap3A_54] {strides = array<i32>} : memref<128x128xf32, #tpu.memory_space<vmem>>, vector<1x16xf32>,
      %swap3A_56 = vector.shape_cast %swap3A_55 : vector<1x16xf32> to vector<16xf32>
      %swap3A_57 = vector.shape_cast %broadcast_in_dim3A_52 : vector<16xf32> to vector<1x16xf32>
      tpu.vector_store %arg7[%swap3A_53, %swap3A_54], %swap3A_57 {strides = array<i32>} : memref<128x128xf32, #tpu.memory_space<vmem>>, vector<1x16xf32>,
      %broadcast_in_dim3A_58 = arith.constant 0.000000e+00 : f32
      %broadcast_in_dim3A_59 = vector.broadcast %broadcast_in_dim3A_58 : f32 to vector<16xf32>
      %swap3A_60 = arith.index_cast %scan3A_44 : i32 to index
      %swap3A_61 = arith.constant 32 : index
      %swap3A_62 = tpu.vector_load %arg7[%swap3A_60, %swap3A_61] {strides = array<i32>} : memref<128x128xf32, #tpu.memory_space<vmem>>, vector<1x16xf32>,
      %swap3A_63 = vector.shape_cast %swap3A_62 : vector<1x16xf32> to vector<16xf32>
      %swap3A_64 = vector.shape_cast %broadcast_in_dim3A_59 : vector<16xf32> to vector<1x16xf32>
      tpu.vector_store %arg7[%swap3A_60, %swap3A_61], %swap3A_64 {strides = array<i32>} : memref<128x128xf32, #tpu.memory_space<vmem>>, vector<1x16xf32>,
      %broadcast_in_dim3A_65 = arith.constant 0.000000e+00 : f32
      %broadcast_in_dim3A_66 = vector.broadcast %broadcast_in_dim3A_65 : f32 to vector<16xf32>
      %swap3A_67 = arith.index_cast %scan3A_44 : i32 to index
      %swap3A_68 = arith.constant 48 : index
      %swap3A_69 = tpu.vector_load %arg7[%swap3A_67, %swap3A_68] {strides = array<i32>} : memref<128x128xf32, #tpu.memory_space<vmem>>, vector<1x16xf32>,
      %swap3A_70 = vector.shape_cast %swap3A_69 : vector<1x16xf32> to vector<16xf32>
      %swap3A_71 = vector.shape_cast %broadcast_in_dim3A_66 : vector<16xf32> to vector<1x16xf32>
      tpu.vector_store %arg7[%swap3A_67, %swap3A_68], %swap3A_71 {strides = array<i32>} : memref<128x128xf32, #tpu.memory_space<vmem>>, vector<1x16xf32>,
      %broadcast_in_dim3A_72 = arith.constant 0.000000e+00 : f32
      %broadcast_in_dim3A_73 = vector.broadcast %broadcast_in_dim3A_72 : f32 to vector<16xf32>
      %swap3A_74 = arith.index_cast %scan3A_44 : i32 to index
      %swap3A_75 = arith.constant 64 : index
      %swap3A_76 = tpu.vector_load %arg7[%swap3A_74, %swap3A_75] {strides = array<i32>} : memref<128x128xf32, #tpu.memory_space<vmem>>, vector<1x16xf32>,
      %swap3A_77 = vector.shape_cast %swap3A_76 : vector<1x16xf32> to vector<16xf32>
      %swap3A_78 = vector.shape_cast %broadcast_in_dim3A_73 : vector<16xf32> to vector<1x16xf32>
      tpu.vector_store %arg7[%swap3A_74, %swap3A_75], %swap3A_78 {strides = array<i32>} : memref<128x128xf32, #tpu.memory_space<vmem>>, vector<1x16xf32>,
      %broadcast_in_dim3A_79 = arith.constant 0.000000e+00 : f32
      %broadcast_in_dim3A_80 = vector.broadcast %broadcast_in_dim3A_79 : f32 to vector<16xf32>
      %swap3A_81 = arith.index_cast %scan3A_44 : i32 to index
      %swap3A_82 = arith.constant 80 : index
      %swap3A_83 = tpu.vector_load %arg7[%swap3A_81, %swap3A_82] {strides = array<i32>} : memref<128x128xf32, #tpu.memory_space<vmem>>, vector<1x16xf32>,
      %swap3A_84 = vector.shape_cast %swap3A_83 : vector<1x16xf32> to vector<16xf32>
      %swap3A_85 = vector.shape_cast %broadcast_in_dim3A_80 : vector<16xf32> to vector<1x16xf32>
      tpu.vector_store %arg7[%swap3A_81, %swap3A_82], %swap3A_85 {strides = array<i32>} : memref<128x128xf32, #tpu.memory_space<vmem>>, vector<1x16xf32>,
      %broadcast_in_dim3A_86 = arith.constant 0.000000e+00 : f32
      %broadcast_in_dim3A_87 = vector.broadcast %broadcast_in_dim3A_86 : f32 to vector<16xf32>
      %swap3A_88 = arith.index_cast %scan3A_44 : i32 to index
      %swap3A_89 = arith.constant 96 : index
      %swap3A_90 = tpu.vector_load %arg7[%swap3A_88, %swap3A_89] {strides = array<i32>} : memref<128x128xf32, #tpu.memory_space<vmem>>, vector<1x16xf32>,
      %swap3A_91 = vector.shape_cast %swap3A_90 : vector<1x16xf32> to vector<16xf32>
      %swap3A_92 = vector.shape_cast %broadcast_in_dim3A_87 : vector<16xf32> to vector<1x16xf32>
      tpu.vector_store %arg7[%swap3A_88, %swap3A_89], %swap3A_92 {strides = array<i32>} : memref<128x128xf32, #tpu.memory_space<vmem>>, vector<1x16xf32>,
      %broadcast_in_dim3A_93 = arith.constant 0.000000e+00 : f32
      %broadcast_in_dim3A_94 = vector.broadcast %broadcast_in_dim3A_93 : f32 to vector<16xf32>
      %swap3A_95 = arith.index_cast %scan3A_44 : i32 to index
      %swap3A_96 = arith.constant 112 : index
      %swap3A_97 = tpu.vector_load %arg7[%swap3A_95, %swap3A_96] {strides = array<i32>} : memref<128x128xf32, #tpu.memory_space<vmem>>, vector<1x16xf32>,
      %swap3A_98 = vector.shape_cast %swap3A_97 : vector<1x16xf32> to vector<16xf32>
      %swap3A_99 = vector.shape_cast %broadcast_in_dim3A_94 : vector<16xf32> to vector<1x16xf32>
      tpu.vector_store %arg7[%swap3A_95, %swap3A_96], %swap3A_99 {strides = array<i32>} : memref<128x128xf32, #tpu.memory_space<vmem>>, vector<1x16xf32>,
      %scan3A_100 = arith.constant 0 : i32
      scf.yield %scan3A_100 : i32
    }
    %scan3A_6 = arith.constant 128 : i32
    %mul3A_7 = arith.constant 640 : i32
    %mul3A_8 = arith.muli %arg1, %mul3A_7 : i32
    %add3A_9 = arith.constant 0 : i32
    %add3A_10 = arith.addi %mul3A_8, %add3A_9 : i32
    "tpu.region"() ({
      %run_scoped3A = tpu.sem_alloc : memref<!tpu.dma_semaphore, #tpu.memory_space<semaphore_mem>>
      %dma_start3A = arith.constant 0 : i32
      %dma_start3A_44 = tpu.memref_slice %arg6[%add3A_10, %dma_start3A] : memref<10240x128xf32, #tpu.memory_space<vmem_shared>> -> memref<128x128xf32, #tpu.memory_space<vmem_shared>>
      %dma_start3A_45 = arith.constant 0 : i32
      %dma_start3A_46 = tpu.memref_slice %arg6[%add3A_10, %dma_start3A_45] : memref<10240x128xf32, #tpu.memory_space<vmem_shared>> -> memref<128x128xf32, #tpu.memory_space<vmem_shared>>
      tpu.enqueue_dma source(%arg7 : memref<128x128xf32, #tpu.memory_space<vmem>>) target(%dma_start3A_46 : memref<128x128xf32, #tpu.memory_space<vmem_shared>>) target_semaphore(%run_scoped3A : memref<!tpu.dma_semaphore, #tpu.memory_space<semaphore_mem>>)
      %dma_wait3A = arith.constant 0 : i32
      %dma_wait3A_47 = tpu.memref_slice %arg6[%add3A_10, %dma_wait3A] : memref<10240x128xf32, #tpu.memory_space<vmem_shared>> -> memref<128x128xf32, #tpu.memory_space<vmem_shared>>
      %dma_wait3A_48 = arith.constant 0 : i32
      %dma_wait3A_49 = tpu.memref_slice %arg6[%add3A_10, %dma_wait3A_48] : memref<10240x128xf32, #tpu.memory_space<vmem_shared>> -> memref<128x128xf32, #tpu.memory_space<vmem_shared>>
      tpu.wait_dma2 semaphore(%run_scoped3A : memref<!tpu.dma_semaphore, #tpu.memory_space<semaphore_mem>>) src(%arg7 : memref<128x128xf32, #tpu.memory_space<vmem>>) dst(%dma_wait3A_49 : memref<128x128xf32, #tpu.memory_space<vmem_shared>>)
      tpu.yield
    }) : () -> ()
    %mul3A_11 = arith.constant 640 : i32
    %mul3A_12 = arith.muli %arg1, %mul3A_11 : i32
    %add3A_13 = arith.constant 128 : i32
    %add3A_14 = arith.addi %mul3A_12, %add3A_13 : i32
    "tpu.region"() ({
      %run_scoped3A = tpu.sem_alloc : memref<!tpu.dma_semaphore, #tpu.memory_space<semaphore_mem>>
      %dma_start3A = arith.constant 0 : i32
      %dma_start3A_44 = tpu.memref_slice %arg6[%add3A_14, %dma_start3A] : memref<10240x128xf32, #tpu.memory_space<vmem_shared>> -> memref<128x128xf32, #tpu.memory_space<vmem_shared>>
      %dma_start3A_45 = arith.constant 0 : i32
      %dma_start3A_46 = tpu.memref_slice %arg6[%add3A_14, %dma_start3A_45] : memref<10240x128xf32, #tpu.memory_space<vmem_shared>> -> memref<128x128xf32, #tpu.memory_space<vmem_shared>>
      tpu.enqueue_dma source(%arg7 : memref<128x128xf32, #tpu.memory_space<vmem>>) target(%dma_start3A_46 : memref<128x128xf32, #tpu.memory_space<vmem_shared>>) target_semaphore(%run_scoped3A : memref<!tpu.dma_semaphore, #tpu.memory_space<semaphore_mem>>)
      %dma_wait3A = arith.constant 0 : i32
      %dma_wait3A_47 = tpu.memref_slice %arg6[%add3A_14, %dma_wait3A] : memref<10240x128xf32, #tpu.memory_space<vmem_shared>> -> memref<128x128xf32, #tpu.memory_space<vmem_shared>>
      %dma_wait3A_48 = arith.constant 0 : i32
      %dma_wait3A_49 = tpu.memref_slice %arg6[%add3A_14, %dma_wait3A_48] : memref<10240x128xf32, #tpu.memory_space<vmem_shared>> -> memref<128x128xf32, #tpu.memory_space<vmem_shared>>
      tpu.wait_dma2 semaphore(%run_scoped3A : memref<!tpu.dma_semaphore, #tpu.memory_space<semaphore_mem>>) src(%arg7 : memref<128x128xf32, #tpu.memory_space<vmem>>) dst(%dma_wait3A_49 : memref<128x128xf32, #tpu.memory_space<vmem_shared>>)
      tpu.yield
    }) : () -> ()
    %mul3A_15 = arith.constant 640 : i32
    %mul3A_16 = arith.muli %arg1, %mul3A_15 : i32
    %add3A_17 = arith.constant 256 : i32
    %add3A_18 = arith.addi %mul3A_16, %add3A_17 : i32
    "tpu.region"() ({
      %run_scoped3A = tpu.sem_alloc : memref<!tpu.dma_semaphore, #tpu.memory_space<semaphore_mem>>
      %dma_start3A = arith.constant 0 : i32
      %dma_start3A_44 = tpu.memref_slice %arg6[%add3A_18, %dma_start3A] : memref<10240x128xf32, #tpu.memory_space<vmem_shared>> -> memref<128x128xf32, #tpu.memory_space<vmem_shared>>
      %dma_start3A_45 = arith.constant 0 : i32
      %dma_start3A_46 = tpu.memref_slice %arg6[%add3A_18, %dma_start3A_45] : memref<10240x128xf32, #tpu.memory_space<vmem_shared>> -> memref<128x128xf32, #tpu.memory_space<vmem_shared>>
      tpu.enqueue_dma source(%arg7 : memref<128x128xf32, #tpu.memory_space<vmem>>) target(%dma_start3A_46 : memref<128x128xf32, #tpu.memory_space<vmem_shared>>) target_semaphore(%run_scoped3A : memref<!tpu.dma_semaphore, #tpu.memory_space<semaphore_mem>>)
      %dma_wait3A = arith.constant 0 : i32
      %dma_wait3A_47 = tpu.memref_slice %arg6[%add3A_18, %dma_wait3A] : memref<10240x128xf32, #tpu.memory_space<vmem_shared>> -> memref<128x128xf32, #tpu.memory_space<vmem_shared>>
      %dma_wait3A_48 = arith.constant 0 : i32
      %dma_wait3A_49 = tpu.memref_slice %arg6[%add3A_18, %dma_wait3A_48] : memref<10240x128xf32, #tpu.memory_space<vmem_shared>> -> memref<128x128xf32, #tpu.memory_space<vmem_shared>>
      tpu.wait_dma2 semaphore(%run_scoped3A : memref<!tpu.dma_semaphore, #tpu.memory_space<semaphore_mem>>) src(%arg7 : memref<128x128xf32, #tpu.memory_space<vmem>>) dst(%dma_wait3A_49 : memref<128x128xf32, #tpu.memory_space<vmem_shared>>)
      tpu.yield
    }) : () -> ()
    %mul3A_19 = arith.constant 640 : i32
    %mul3A_20 = arith.muli %arg1, %mul3A_19 : i32
    %add3A_21 = arith.constant 384 : i32
    %add3A_22 = arith.addi %mul3A_20, %add3A_21 : i32
    "tpu.region"() ({
      %run_scoped3A = tpu.sem_alloc : memref<!tpu.dma_semaphore, #tpu.memory_space<semaphore_mem>>
      %dma_start3A = arith.constant 0 : i32
      %dma_start3A_44 = tpu.memref_slice %arg6[%add3A_22, %dma_start3A] : memref<10240x128xf32, #tpu.memory_space<vmem_shared>> -> memref<128x128xf32, #tpu.memory_space<vmem_shared>>
      %dma_start3A_45 = arith.constant 0 : i32
      %dma_start3A_46 = tpu.memref_slice %arg6[%add3A_22, %dma_start3A_45] : memref<10240x128xf32, #tpu.memory_space<vmem_shared>> -> memref<128x128xf32, #tpu.memory_space<vmem_shared>>
      tpu.enqueue_dma source(%arg7 : memref<128x128xf32, #tpu.memory_space<vmem>>) target(%dma_start3A_46 : memref<128x128xf32, #tpu.memory_space<vmem_shared>>) target_semaphore(%run_scoped3A : memref<!tpu.dma_semaphore, #tpu.memory_space<semaphore_mem>>)
      %dma_wait3A = arith.constant 0 : i32
      %dma_wait3A_47 = tpu.memref_slice %arg6[%add3A_22, %dma_wait3A] : memref<10240x128xf32, #tpu.memory_space<vmem_shared>> -> memref<128x128xf32, #tpu.memory_space<vmem_shared>>
      %dma_wait3A_48 = arith.constant 0 : i32
      %dma_wait3A_49 = tpu.memref_slice %arg6[%add3A_22, %dma_wait3A_48] : memref<10240x128xf32, #tpu.memory_space<vmem_shared>> -> memref<128x128xf32, #tpu.memory_space<vmem_shared>>
      tpu.wait_dma2 semaphore(%run_scoped3A : memref<!tpu.dma_semaphore, #tpu.memory_space<semaphore_mem>>) src(%arg7 : memref<128x128xf32, #tpu.memory_space<vmem>>) dst(%dma_wait3A_49 : memref<128x128xf32, #tpu.memory_space<vmem_shared>>)
      tpu.yield
    }) : () -> ()
    %mul3A_23 = arith.constant 640 : i32
    %mul3A_24 = arith.muli %arg1, %mul3A_23 : i32
    %add3A_25 = arith.constant 512 : i32
    %add3A_26 = arith.addi %mul3A_24, %add3A_25 : i32
    "tpu.region"() ({
      %run_scoped3A = tpu.sem_alloc : memref<!tpu.dma_semaphore, #tpu.memory_space<semaphore_mem>>
      %dma_start3A = arith.constant 0 : i32
      %dma_start3A_44 = tpu.memref_slice %arg6[%add3A_26, %dma_start3A] : memref<10240x128xf32, #tpu.memory_space<vmem_shared>> -> memref<128x128xf32, #tpu.memory_space<vmem_shared>>
      %dma_start3A_45 = arith.constant 0 : i32
      %dma_start3A_46 = tpu.memref_slice %arg6[%add3A_26, %dma_start3A_45] : memref<10240x128xf32, #tpu.memory_space<vmem_shared>> -> memref<128x128xf32, #tpu.memory_space<vmem_shared>>
      tpu.enqueue_dma source(%arg7 : memref<128x128xf32, #tpu.memory_space<vmem>>) target(%dma_start3A_46 : memref<128x128xf32, #tpu.memory_space<vmem_shared>>) target_semaphore(%run_scoped3A : memref<!tpu.dma_semaphore, #tpu.memory_space<semaphore_mem>>)
      %dma_wait3A = arith.constant 0 : i32
      %dma_wait3A_47 = tpu.memref_slice %arg6[%add3A_26, %dma_wait3A] : memref<10240x128xf32, #tpu.memory_space<vmem_shared>> -> memref<128x128xf32, #tpu.memory_space<vmem_shared>>
      %dma_wait3A_48 = arith.constant 0 : i32
      %dma_wait3A_49 = tpu.memref_slice %arg6[%add3A_26, %dma_wait3A_48] : memref<10240x128xf32, #tpu.memory_space<vmem_shared>> -> memref<128x128xf32, #tpu.memory_space<vmem_shared>>
      tpu.wait_dma2 semaphore(%run_scoped3A : memref<!tpu.dma_semaphore, #tpu.memory_space<semaphore_mem>>) src(%arg7 : memref<128x128xf32, #tpu.memory_space<vmem>>) dst(%dma_wait3A_49 : memref<128x128xf32, #tpu.memory_space<vmem_shared>>)
      tpu.yield
    }) : () -> ()
    %barrier3A = arith.constant 0 : index
    tpu.barrier barrier_id(%barrier3A)
    %mul3A_27 = arith.constant 10240 : i32
    %mul3A_28 = arith.muli %add3A, %mul3A_27 : i32
    %scan3A_29 = arith.constant 0 : i32
    %scan3A_30 = arith.constant 0 : i32
    %scan3A_31 = arith.constant 80 : i32
    %scan3A_32 = arith.addi %scan3A_30, %scan3A_31 : i32
    %scan3A_33 = arith.constant 1 : i32
    %scan3A_34 = scf.for %scan3A_44 = %scan3A_30 to %scan3A_32 step %scan3A_33 iter_args(%scan3A_45 = %scan3A_29) -> (i32)  : i32 {
      %mul3A_46 = arith.constant 128 : i32
      %mul3A_47 = arith.muli %scan3A_44, %mul3A_46 : i32
      %add3A_48 = arith.addi %mul3A_28, %mul3A_47 : i32
      "tpu.region"() ({
        %run_scoped3A = tpu.sem_alloc : memref<!tpu.dma_semaphore, #tpu.memory_space<semaphore_mem>>
        %dma_start3A = tpu.memref_slice %arg3[%add3A_48] : memref<327680xi32, #tpu.memory_space<hbm>> -> memref<128xi32, #tpu.memory_space<hbm>>
        %dma_start3A_53 = tpu.memref_slice %arg3[%add3A_48] : memref<327680xi32, #tpu.memory_space<hbm>> -> memref<128xi32, #tpu.memory_space<hbm>>
        tpu.enqueue_dma source(%dma_start3A_53 : memref<128xi32, #tpu.memory_space<hbm>>) target(%arg8 : memref<128xi32, #tpu.memory_space<vmem>>) target_semaphore(%run_scoped3A : memref<!tpu.dma_semaphore, #tpu.memory_space<semaphore_mem>>)
        %dma_wait3A = tpu.memref_slice %arg3[%add3A_48] : memref<327680xi32, #tpu.memory_space<hbm>> -> memref<128xi32, #tpu.memory_space<hbm>>
        %dma_wait3A_54 = tpu.memref_slice %arg3[%add3A_48] : memref<327680xi32, #tpu.memory_space<hbm>> -> memref<128xi32, #tpu.memory_space<hbm>>
        tpu.wait_dma2 semaphore(%run_scoped3A : memref<!tpu.dma_semaphore, #tpu.memory_space<semaphore_mem>>) src(%dma_wait3A_54 : memref<128xi32, #tpu.memory_space<hbm>>) dst(%arg8 : memref<128xi32, #tpu.memory_space<vmem>>)
        tpu.yield
      }) : () -> ()
      %mul3A_49 = arith.constant 128 : i32
      %mul3A_50 = arith.muli %scan3A_44, %mul3A_49 : i32
      %add3A_51 = arith.addi %mul3A_28, %mul3A_50 : i32
      "tpu.region"() ({
        %run_scoped3A = tpu.sem_alloc : memref<!tpu.dma_semaphore, #tpu.memory_space<semaphore_mem>>
        %dma_start3A = tpu.memref_slice %arg4[%add3A_51] : memref<327680xi32, #tpu.memory_space<hbm>> -> memref<128xi32, #tpu.memory_space<hbm>>
        %dma_start3A_53 = tpu.memref_slice %arg4[%add3A_51] : memref<327680xi32, #tpu.memory_space<hbm>> -> memref<128xi32, #tpu.memory_space<hbm>>
        tpu.enqueue_dma source(%dma_start3A_53 : memref<128xi32, #tpu.memory_space<hbm>>) target(%arg9 : memref<128xi32, #tpu.memory_space<vmem>>) target_semaphore(%run_scoped3A : memref<!tpu.dma_semaphore, #tpu.memory_space<semaphore_mem>>)
        %dma_wait3A = tpu.memref_slice %arg4[%add3A_51] : memref<327680xi32, #tpu.memory_space<hbm>> -> memref<128xi32, #tpu.memory_space<hbm>>
        %dma_wait3A_54 = tpu.memref_slice %arg4[%add3A_51] : memref<327680xi32, #tpu.memory_space<hbm>> -> memref<128xi32, #tpu.memory_space<hbm>>
        tpu.wait_dma2 semaphore(%run_scoped3A : memref<!tpu.dma_semaphore, #tpu.memory_space<semaphore_mem>>) src(%dma_wait3A_54 : memref<128xi32, #tpu.memory_space<hbm>>) dst(%arg9 : memref<128xi32, #tpu.memory_space<vmem>>)
        tpu.yield
      }) : () -> ()
      "tpu.region"() ({
        %run_scoped3A = tpu.sem_alloc : memref<!tpu.dma_semaphore, #tpu.memory_space<semaphore_mem>>
        %dma_start3A = arith.constant 0 : i32
        %dma_start3A_53 = arith.constant 0 : i32
        %dma_start3A_54 = tpu.memref_slice %arg2[%dma_start3A, %dma_start3A_53] : memref<10000x128xf32, #tpu.memory_space<hbm>> -> memref<10000x128xf32, #tpu.memory_space<hbm>>
        tpu.enqueue_indirect_dma source(%dma_start3A_54 : memref<10000x128xf32, #tpu.memory_space<hbm>>) target(%arg7 : memref<128x128xf32, #tpu.memory_space<vmem>>) offsets(%arg8 : memref<128xi32, #tpu.memory_space<vmem>>) semaphore(%run_scoped3A : memref<!tpu.dma_semaphore, #tpu.memory_space<semaphore_mem>>)
        %dma_wait3A = arith.constant 0 : i32
        %dma_wait3A_55 = arith.constant 0 : i32
        %dma_wait3A_56 = tpu.memref_slice %arg2[%dma_wait3A, %dma_wait3A_55] : memref<10000x128xf32, #tpu.memory_space<hbm>> -> memref<10000x128xf32, #tpu.memory_space<hbm>>
        tpu.wait_indirect_dma semaphore(%run_scoped3A : memref<!tpu.dma_semaphore, #tpu.memory_space<semaphore_mem>>) src(%dma_wait3A_56 : memref<10000x128xf32, #tpu.memory_space<hbm>>) dst(%arg7 : memref<128x128xf32, #tpu.memory_space<vmem>>)
        tpu.yield
      }) : () -> ()
      "tpu.region"() ({
        %run_scoped3A = tpu.sem_alloc : memref<!tpu.dma_semaphore, #tpu.memory_space<semaphore_mem>>
        %dma_start3A = arith.constant 0 : i32
        %dma_start3A_53 = arith.constant 0 : i32
        %dma_start3A_54 = tpu.memref_slice %arg6[%dma_start3A, %dma_start3A_53] : memref<10240x128xf32, #tpu.memory_space<vmem_shared>> -> memref<10240x128xf32, #tpu.memory_space<vmem_shared>>
        tpu.enqueue_indirect_dma source(%arg7 : memref<128x128xf32, #tpu.memory_space<vmem>>) target(%dma_start3A_54 : memref<10240x128xf32, #tpu.memory_space<vmem_shared>>) offsets(%arg9 : memref<128xi32, #tpu.memory_space<vmem>>) semaphore(%run_scoped3A : memref<!tpu.dma_semaphore, #tpu.memory_space<semaphore_mem>>) {add = true}
        %dma_wait3A = arith.constant 0 : i32
        %dma_wait3A_55 = arith.constant 0 : i32
        %dma_wait3A_56 = tpu.memref_slice %arg6[%dma_wait3A, %dma_wait3A_55] : memref<10240x128xf32, #tpu.memory_space<vmem_shared>> -> memref<10240x128xf32, #tpu.memory_space<vmem_shared>>
        tpu.wait_indirect_dma semaphore(%run_scoped3A : memref<!tpu.dma_semaphore, #tpu.memory_space<semaphore_mem>>) src(%arg7 : memref<128x128xf32, #tpu.memory_space<vmem>>) dst(%dma_wait3A_56 : memref<10240x128xf32, #tpu.memory_space<vmem_shared>>)
        tpu.yield
      }) : () -> ()
      %scan3A_52 = arith.constant 0 : i32
      scf.yield %scan3A_52 : i32
    }
    %scan3A_35 = arith.constant 80 : i32
    %barrier3A_36 = arith.constant 0 : index
    tpu.barrier barrier_id(%barrier3A_36)
    %mul3A_37 = arith.constant 640 : i32
    %mul3A_38 = arith.muli %arg1, %mul3A_37 : i32
    %mul3A_39 = arith.constant 10240 : i32
    %mul3A_40 = arith.muli %arg0, %mul3A_39 : i32
    %mul3A_41 = arith.constant 640 : i32
    %mul3A_42 = arith.muli %arg1, %mul3A_41 : i32
    %add3A_43 = arith.addi %mul3A_40, %mul3A_42 : i32
    "tpu.region"() ({
      %run_scoped3A = tpu.sem_alloc : memref<!tpu.dma_semaphore, #tpu.memory_space<semaphore_mem>>
      %dma_start3A = arith.constant 0 : i32
      %dma_start3A_44 = tpu.memref_slice %arg5[%add3A_43, %dma_start3A] : memref<20480x128xf32, #tpu.memory_space<hbm>> -> memref<640x128xf32, #tpu.memory_space<hbm>>
      %dma_start3A_45 = arith.constant 0 : i32
      %dma_start3A_46 = tpu.memref_slice %arg6[%mul3A_38, %dma_start3A_45] : memref<10240x128xf32, #tpu.memory_space<vmem_shared>> -> memref<640x128xf32, #tpu.memory_space<vmem_shared>>
      tpu.enqueue_dma source(%dma_start3A_46 : memref<640x128xf32, #tpu.memory_space<vmem_shared>>) target(%dma_start3A_44 : memref<640x128xf32, #tpu.memory_space<hbm>>) target_semaphore(%run_scoped3A : memref<!tpu.dma_semaphore, #tpu.memory_space<semaphore_mem>>)
      %dma_wait3A = arith.constant 0 : i32
      %dma_wait3A_47 = tpu.memref_slice %arg5[%add3A_43, %dma_wait3A] : memref<20480x128xf32, #tpu.memory_space<hbm>> -> memref<640x128xf32, #tpu.memory_space<hbm>>
      %dma_wait3A_48 = arith.constant 0 : i32
      %dma_wait3A_49 = tpu.memref_slice %arg6[%mul3A_38, %dma_wait3A_48] : memref<10240x128xf32, #tpu.memory_space<vmem_shared>> -> memref<640x128xf32, #tpu.memory_space<vmem_shared>>
      tpu.wait_dma2 semaphore(%run_scoped3A : memref<!tpu.dma_semaphore, #tpu.memory_space<semaphore_mem>>) src(%dma_wait3A_49 : memref<640x128xf32, #tpu.memory_space<vmem_shared>>) dst(%dma_wait3A_47 : memref<640x128xf32, #tpu.memory_space<hbm>>)
      tpu.yield
    }) : () -> ()
    return
  }
}

module attributes {stable_mosaic.version = 14 : i64} {
  func.func @_scale_kernel(%arg0: memref<20480x16xf32, #tpu.memory_space<vmem>>, %arg1: memref<10000x128xf32, #tpu.memory_space<vmem>>, %arg2: memref<10000x128xf32, #tpu.memory_space<vmem>>, %arg3: memref<10000x1xf32, #tpu.memory_space<vmem>>) attributes {dimension_semantics = [], scalar_prefetch = 0 : i64, scratch_operands = 0 : i64, tpu.core_type = #tpu.core_type<tc>} {
    %get3A = arith.constant 0 : index
    %get3A_0 = arith.constant 0 : index
    %get3A_1 = vector.load %arg0[%get3A, %get3A_0] : memref<20480x16xf32, #tpu.memory_space<vmem>>, vector<10000x1xf32>
    %get3A_2 = arith.constant 10240 : index
    %get3A_3 = arith.constant 0 : index
    %get3A_4 = vector.load %arg0[%get3A_2, %get3A_3] : memref<20480x16xf32, #tpu.memory_space<vmem>>, vector<10000x1xf32>
    %add3A = arith.addf %get3A_1, %get3A_4 : vector<10000x1xf32>
    %add3A_5 = arith.constant 1.000000e+00 : f32
    %add3A_6 = vector.broadcast %add3A_5 : f32 to vector<10000x1xf32>
    %add3A_7 = arith.addf %add3A, %add3A_6 : vector<10000x1xf32>
    %get3A_8 = arith.constant 0 : index
    %get3A_9 = arith.constant 0 : index
    %get3A_10 = vector.load %arg1[%get3A_8, %get3A_9] : memref<10000x128xf32, #tpu.memory_space<vmem>>, vector<10000x128xf32>
    %rsqrt3A = math.rsqrt %add3A_7 : vector<10000x1xf32>
    %mul3A = vector.broadcast %rsqrt3A : vector<10000x1xf32> to vector<10000x128xf32>
    %mul3A_11 = arith.mulf %get3A_10, %mul3A : vector<10000x128xf32>
    %swap3A = arith.constant 0 : index
    %swap3A_12 = arith.constant 0 : index
    %swap3A_13 = vector.load %arg2[%swap3A, %swap3A_12] : memref<10000x128xf32, #tpu.memory_space<vmem>>, vector<10000x128xf32>
    tpu.vector_store %arg2[%swap3A, %swap3A_12], %mul3A_11 {strides = array<i32>} : memref<10000x128xf32, #tpu.memory_space<vmem>>, vector<10000x128xf32>,
    %swap3A_14 = arith.constant 0 : index
    %swap3A_15 = arith.constant 0 : index
    %swap3A_16 = vector.load %arg3[%swap3A_14, %swap3A_15] : memref<10000x1xf32, #tpu.memory_space<vmem>>, vector<10000x1xf32>
    tpu.vector_store %arg3[%swap3A_14, %swap3A_15], %add3A_7 {strides = array<i32>} : memref<10000x1xf32, #tpu.memory_space<vmem>>, vector<10000x1xf32>,
    return
  }
}

module attributes {stable_mosaic.version = 14 : i64} {
  func.func @_out_kernel(%arg0: i32, %arg1: memref<1024x128xf32, #tpu.memory_space<vmem>>, %arg2: memref<1024x128xf32, #tpu.memory_space<vmem>>, %arg3: memref<1024x128xf32, #tpu.memory_space<vmem>>, %arg4: memref<1024x1xf32, #tpu.memory_space<vmem>>, %arg5: memref<128x256xf32, #tpu.memory_space<vmem>>, %arg6: memref<1x256xf32, #tpu.memory_space<vmem>>, %arg7: memref<1024x256xf32, #tpu.memory_space<vmem>>) attributes {dimension_semantics = [#tpu.dimension_semantics<arbitrary>], iteration_bounds = array<i64: 10>, scalar_prefetch = 0 : i64, scratch_operands = 0 : i64, tpu.core_type = #tpu.core_type<tc>, window_params = [{transform_indices = @transform_0, window_bounds = array<i64: 1024, 128>}, {transform_indices = @transform_1, window_bounds = array<i64: 1024, 128>}, {transform_indices = @transform_2, window_bounds = array<i64: 1024, 128>}, {transform_indices = @transform_3, window_bounds = array<i64: 1024, 1>}, {pipeline_mode = #tpu.pipeline_mode<synchronous>, transform_indices = @transform_4, window_bounds = array<i64: 128, 256>}, {pipeline_mode = #tpu.pipeline_mode<synchronous>, transform_indices = @transform_5, window_bounds = array<i64: 1, 256>}, {transform_indices = @transform_6, window_bounds = array<i64: 1024, 256>}]} {
    %get3A = arith.constant 0 : index
    %get3A_0 = arith.constant 0 : index
    %get3A_1 = vector.load %arg4[%get3A, %get3A_0] : memref<1024x1xf32, #tpu.memory_space<vmem>>, vector<1024x1xf32>
    %get3A_2 = arith.constant 0 : index
    %get3A_3 = arith.constant 0 : index
    %get3A_4 = vector.load %arg1[%get3A_2, %get3A_3] : memref<1024x128xf32, #tpu.memory_space<vmem>>, vector<1024x128xf32>
    %get3A_5 = arith.constant 0 : index
    %get3A_6 = arith.constant 0 : index
    %get3A_7 = vector.load %arg2[%get3A_5, %get3A_6] : memref<1024x128xf32, #tpu.memory_space<vmem>>, vector<1024x128xf32>
    %add3A = arith.addf %get3A_4, %get3A_7 : vector<1024x128xf32>
    %rsqrt3A = math.rsqrt %get3A_1 : vector<1024x1xf32>
    %mul3A = vector.broadcast %rsqrt3A : vector<1024x1xf32> to vector<1024x128xf32>
    %mul3A_8 = arith.mulf %add3A, %mul3A : vector<1024x128xf32>
    %get3A_9 = arith.constant 0 : index
    %get3A_10 = arith.constant 0 : index
    %get3A_11 = vector.load %arg3[%get3A_9, %get3A_10] : memref<1024x128xf32, #tpu.memory_space<vmem>>, vector<1024x128xf32>
    %div3A = arith.constant 1.000000e+00 : f32
    %div3A_12 = vector.broadcast %div3A : f32 to vector<1024x1xf32>
    %div3A_13 = arith.divf %div3A_12, %get3A_1 : vector<1024x1xf32>
    %mul3A_14 = vector.broadcast %div3A_13 : vector<1024x1xf32> to vector<1024x128xf32>
    %mul3A_15 = arith.mulf %get3A_11, %mul3A_14 : vector<1024x128xf32>
    %add3A_16 = arith.addf %mul3A_8, %mul3A_15 : vector<1024x128xf32>
    %get3A_17 = arith.constant 0 : index
    %get3A_18 = arith.constant 0 : index
    %get3A_19 = vector.load %arg5[%get3A_17, %get3A_18] : memref<128x256xf32, #tpu.memory_space<vmem>>, vector<128x256xf32>
    %dot_general3A = arith.constant dense<0.000000e+00> : vector<1024x256xf32>
    %dot_general3A_20 = tpu.matmul %add3A_16, %get3A_19, %dot_general3A {dimension_numbers = #tpu.dot_dimension_numbers<[1], [0], [0], [1], [0, 0, 1, 1], [], []>, transpose_lhs_hint = false} : vector<1024x128xf32>, vector<128x256xf32>, vector<1024x256xf32> -> vector<1024x256xf32>
    %get3A_21 = arith.constant 0 : index
    %get3A_22 = arith.constant 0 : index
    %get3A_23 = vector.load %arg6[%get3A_21, %get3A_22] : memref<1x256xf32, #tpu.memory_space<vmem>>, vector<1x256xf32>
    %add3A_24 = vector.broadcast %get3A_23 : vector<1x256xf32> to vector<1024x256xf32>
    %add3A_25 = arith.addf %dot_general3A_20, %add3A_24 : vector<1024x256xf32>
    %swap3A = arith.constant 0 : index
    %swap3A_26 = arith.constant 0 : index
    %swap3A_27 = vector.load %arg7[%swap3A, %swap3A_26] : memref<1024x256xf32, #tpu.memory_space<vmem>>, vector<1024x256xf32>
    tpu.vector_store %arg7[%swap3A, %swap3A_26], %add3A_25 {strides = array<i32>} : memref<1024x256xf32, #tpu.memory_space<vmem>>, vector<1024x256xf32>,
    return
  }
  func.func @transform_0(%arg0: i32) -> (i32, i32) {
    %c0_i32 = arith.constant 0 : i32
    %c0_i32_0 = arith.constant 0 : i32
    return %arg0, %c0_i32 : i32, i32
  }
  func.func @transform_1(%arg0: i32) -> (i32, i32) {
    %add3A = arith.constant 10 : i32
    %add3A_0 = arith.addi %arg0, %add3A : i32
    %c0_i32 = arith.constant 0 : i32
    %c0_i32_1 = arith.constant 0 : i32
    return %add3A_0, %c0_i32 : i32, i32
  }
  func.func @transform_2(%arg0: i32) -> (i32, i32) {
    %c0_i32 = arith.constant 0 : i32
    %c0_i32_0 = arith.constant 0 : i32
    return %arg0, %c0_i32 : i32, i32
  }
  func.func @transform_3(%arg0: i32) -> (i32, i32) {
    %c0_i32 = arith.constant 0 : i32
    %c0_i32_0 = arith.constant 0 : i32
    return %arg0, %c0_i32 : i32, i32
  }
  func.func @transform_4(%arg0: i32) -> (i32, i32) {
    %c0_i32 = arith.constant 0 : i32
    %c0_i32_0 = arith.constant 0 : i32
    %c0_i32_1 = arith.constant 0 : i32
    return %c0_i32, %c0_i32_0 : i32, i32
  }
  func.func @transform_5(%arg0: i32) -> (i32, i32) {
    %c0_i32 = arith.constant 0 : i32
    %c0_i32_0 = arith.constant 0 : i32
    %c0_i32_1 = arith.constant 0 : i32
    return %c0_i32, %c0_i32_0 : i32, i32
  }
  func.func @transform_6(%arg0: i32) -> (i32, i32) {
    %c0_i32 = arith.constant 0 : i32
    %c0_i32_0 = arith.constant 0 : i32
    return %arg0, %c0_i32 : i32, i32
  }
}

</mosaic_0001>

<sc_bundles>
// kernel: kernel.6.cloned.1.call-start
scs
__scs_entry_jumppad:
0x0: {  	(pc) =	sbr.rel $0x88, $3  }
0x1: {  	(tag) =	ssettag $0x0;
	lr =	simm.s32 $0x1  }
0x2: {  	[smem:$0x3F9B] =	sst lr;
	_ =	strace $0xD0000000  }
0x3: {  	_ = 	snop  }
0x4: {  	_ = 	snop  }
0x5: {  	_ = 	snop  }
0x6: {  	_ = 	snop  }
0x7: {  	_ = 	snop  }
__scs_overlays_trampoline_lowered:
0x8: {  	[smem:$0x3FAA] =	sst s0  }
0x9: {  	[smem:$0x3FAB] =	sst s1  }
0xa: {  	[smem:$0x3FAC] =	sst s2  }
0xb: {  	[smem:$0x3FAD] =	sst s3  }
0xc: {  	[smem:$0x3FAE] =	sst s4  }
0xd: {  	[smem:$0x3FAF] =	sst s5  }
0xe: {  	[smem:$0x3FB0] =	sst s6  }
0xf: {  	[smem:$0x3FB1] =	sst s7  }
0x10: {  	[smem:$0x3FB2] =	sst s8  }
0x11: {  	[smem:$0x3FB3] =	sst s9;
	s0 =	simm.s32 @!p0 $0x0  }
0x12: {  	s1 =	sld [smem:$0x3F99];
	s0 =	simm.s32 @p0 $0x1  }
0x13: {  	[smem:$0x3FB4] =	sst s0;
	s0 =	simm.s32 @!p1 $0x0  }
0x14: {  	s2 =	sld [smem:$0x3F98];
	s0 =	simm.s32 @p1 $0x1  }
0x15: {  	[smem:$0x3FB5] =	sst s0;
	s0 =	simm.s32 @!p2 $0x0  }
0x16: {  	s3 =	sld [smem:$0x3FDB];
	s0 =	simm.s32 @p2 $0x1  }
0x17: {  	s4 =	simm.s32 $0x1BF5;
	[smem:$0x3FB7] =	sst s0  }
0x18: {  	s0 =	sld [smem:$0x3F9A];
	_ =	swait.ge [sflag:s4], $0x0  }
0x19: {  	s7 =	sld [smem:$0x3F9B]  }
0x1a: {  	s8 =	sadd.s32 $0xFFFFE003, lr  }
0x1b: {  	s9 =	sadd.s32 $0xFFFFFEF7, lr;
	s5 =	simm.s32 $0xFFFFFFFF;
	p2 =	slt.u32 s8, $0xFFFFF086  }
0x1c: {  	p1 =	slt.u32 s9, $0xF7A;
	s5 =	simm.s32 @!p2 $0x0  }
0x1d: {  	s5 =	simm.s32 @p1 $0x1;
	p0 =	seq.s32 s7, s2  }
0x1e: {  	s7 =	smul.u32 @!p0 $0xF7A, s2;
	p2 =	seq.s32 @!p0 s5, $0x0  }
0x1f: {  	s9 =	smul.u32 $0xF7A, s1;
	s8 =	simm.s32 @!p0 $0x1BF5;
	p2 =	por !p2, p0  }
0x20: {  	[sflag:s8] =	ssyncset.s32 @!p0 $0xFFFFF086;
	s6 =	sadd.s32 @!p0 s3, s7;
	s7 =	simm.s32 @!p0 $0x108  }
0x21: {  	s3 =	sadd.s32 s3, s9;
	s6 =	sadd.s32 @!p0 $0x88, s6;
	s7 =	simm.s32 @p2 $0x1082  }
0x22: {  	[simem:s7], [sflag:s8] =	dma.local @!p0 [hbm:s6], $0xF7A  }
0x23: {  	s9 =	sor.u32 $0xD0000000, s2;
	s6 =	simm.s32 $0x108;
	_ =	swait.ge @!p0 [sflag:s8], $0x0  }
0x24: {  	s3 =	sadd.s32 $0x88, s3;
	s6 =	simm.s32 @!p1 $0x1082;
	[sflag:s4] =	ssyncset.s32 $0xFFFFF086  }
0x25: {  	[simem:s6], [sflag:s4] =	dma.local [hbm:s3], $0xF7A  }
0x26: {  	[smem:$0x3F9B] =	sst s1;
	(tag) =	ssettag s2;
	_ =	strace s9  }
0x27: {  	s1 =	sld [smem:$0x3FAB]  }
0x28: {  	s2 =	sld [smem:$0x3FAC]  }
0x29: {  	s4 =	sld [smem:$0x3FAE]  }
0x2a: {  	p0 =	seq.s32 s5, $0x0;
	s5 =	sld [smem:$0x3FAF]  }
0x2b: {  	s6 =	sld [smem:$0x3FB0]  }
0x2c: {  	s7 =	sld [smem:$0x3FB1]  }
0x2d: {  	s3 =	simm.s32 $0x108;
	s8 =	sld [smem:$0x3FB2]  }
0x2e: {  	s3 =	simm.s32 @!p0 $0x1082;
	s9 =	sld [smem:$0x3FB3]  }
0x2f: {  	lr =	sadd.s32 s0, s3;
	s0 =	sld [smem:$0x3FAA]  }
0x30: {  	s3 =	sld [smem:$0x3FAD]  }
0x31: {  	[smem:$0x3FB6] =	sst s10  }
0x32: {  	s10 =	sld [smem:$0x3FB4];
	_ =	sdelay $0x3  }
0x33: {  	p0 =	seq.s32 s10, $0x1;
	s10 =	sld [smem:$0x3FB6];
	_ =	sdelay $0x3  }
0x34: {  	[smem:$0x3FB6] =	sst s10  }
0x35: {  	s10 =	sld [smem:$0x3FB5];
	_ =	sdelay $0x3  }
0x36: {  	p1 =	seq.s32 s10, $0x1;
	s10 =	sld [smem:$0x3FB6];
	_ =	sdelay $0x3  }
0x37: {  	[smem:$0x3FB6] =	sst s10  }
0x38: {  	s10 =	sld [smem:$0x3FB7]  }
0x39: {  	_ = 	snop;
	(pc) =	sbr.ind lr, $3  }
0x3a: {  	_ = 	snop  }
0x3b: {  	_ = 	snop  }
0x3c: {  	p2 =	seq.s32 s10, $0x1;
	s10 =	sld [smem:$0x3FB6]  }
0x3d: {  	_ =	shalt  }
0x3e: {  	_ =	shalt  }
0x3f: {  	_ =	shalt  }
0x40: {  	_ =	shalt  }
0x41: {  	_ =	shalt  }
0x42: {  	_ =	shalt  }
0x43: {  	_ =	shalt  }
0x44: {  	_ =	shalt  }
0x45: {  	_ =	shalt  }
0x46: {  	_ =	shalt  }
0x47: {  	_ =	shalt  }
0x48: {  	_ =	shalt  }
0x49: {  	_ =	shalt  }
0x4a: {  	_ =	shalt  }
0x4b: {  	_ =	shalt  }
0x4c: {  	_ =	shalt  }
0x4d: {  	_ =	shalt  }
0x4e: {  	_ =	shalt  }
0x4f: {  	_ =	shalt  }
0x50: {  	_ =	shalt  }
0x51: {  	_ =	shalt  }
0x52: {  	_ =	shalt  }
0x53: {  	_ =	shalt  }
0x54: {  	_ =	shalt  }
0x55: {  	_ =	shalt  }
0x56: {  	_ =	shalt  }
0x57: {  	_ =	shalt  }
0x58: {  	_ =	shalt  }
0x59: {  	_ =	shalt  }
0x5a: {  	_ =	shalt  }
0x5b: {  	_ =	shalt  }
0x5c: {  	_ =	shalt  }
0x5d: {  	_ =	shalt  }
0x5e: {  	_ =	shalt  }
0x5f: {  	_ =	shalt  }
0x60: {  	_ =	shalt  }
0x61: {  	_ =	shalt  }
0x62: {  	_ =	shalt  }
0x63: {  	_ =	shalt  }
0x64: {  	_ =	shalt  }
0x65: {  	_ =	shalt  }
0x66: {  	_ =	shalt  }
0x67: {  	_ =	shalt  }
0x68: {  	_ =	shalt  }
0x69: {  	_ =	shalt  }
0x6a: {  	_ =	shalt  }
0x6b: {  	_ =	shalt  }
0x6c: {  	_ =	shalt  }
0x6d: {  	_ =	shalt  }
0x6e: {  	_ =	shalt  }
0x6f: {  	_ =	shalt  }
0x70: {  	_ =	shalt  }
0x71: {  	_ =	shalt  }
0x72: {  	_ =	shalt  }
0x73: {  	_ =	shalt  }
0x74: {  	_ =	shalt  }
0x75: {  	_ =	shalt  }
0x76: {  	_ =	shalt  }
0x77: {  	_ =	shalt  }
0x78: {  	_ =	shalt  }
0x79: {  	_ =	shalt  }
0x7a: {  	_ =	shalt  }
0x7b: {  	_ =	shalt  }
0x7c: {  	_ =	shalt  }
0x7d: {  	_ =	shalt  }
0x7e: {  	_ =	shalt  }
0x7f: {  	_ =	shalt  }
0x80: {  	_ =	shalt  }
0x81: {  	_ =	shalt  }
0x82: {  	_ =	shalt  }
0x83: {  	_ =	shalt  }
0x84: {  	_ =	shalt  }
0x85: {  	_ =	shalt  }
0x86: {  	_ =	shalt  }
0x87: {  	_ =	shalt  }
.Lfunc_end0:
.L_simem_size_0:
called_computation_lowered:
.L_overlay_start_0:
0x88: {  	s2 =	sld [smem:$0x3FD9]  }
0x89: {  	s3 =	sld [smem:$0x3FFE];
	_ =	sdelay $0x1  }
0x8a: {  	s1 =	srdreg.scid  }
0x8b: {  	s0 =	sand.u32 $0x1, s1  }
0x8c: {  	s14 =	sshll.u32 s0, $0xA;
	s2 =	sadd.s32 s3, s2  }
0x8d: {  	s2 =	sadd.s32 s2, s14  }
0x8e: {  	[smem:$0x3FC2] =	sst s2  }
0x8f: {  	_ = 	snop  }
0x90: {  	s2 =	sld [smem:$0x3FD0];
	_ =	sdelay $0x2  }
0x91: {  	s15 =	simm.s32 $0xA;
	s4 =	simm.s32 $0x10  }
0x92: {  	[smem:s4], [sflag:s15] =	dma.local [hbm:s2], $0x1  }
0x93: {  	_ =	swait.eq [sflag:s15], $0x1  }
0x94: {  	[sflag:s15] =	ssyncset.done $0x0  }
0x95: {  	[sflag:s15] =	ssyncadd.s32 $0xFFFFFFFF  }
0x96: {  	s16 =	sld [smem:$0x11];
	(tm) =	ssettm $0x1  }
0x97: {  	s17 =	sld [smem:$0x3FFB];
	_ =	sdelay $0x3  }
0x98: {  	_ =	strace s17  }
0x99: {  	s3 =	sld [smem:$0x3FFC];
	_ =	sdelay $0x3  }
0x9a: {  	_ =	strace s3  }
0x9b: {  	s3 =	sld [smem:$0x3FFD];
	_ =	sdelay $0x3  }
0x9c: {  	_ =	strace s3  }
0x9d: {  	_ =	strace $0x8FFFFFFF  }
0x9e: {  	s18 =	sld [smem:$0x3FDB];
	_ =	sdelay $0x1  }
0x9f: {  	s19 =	simm.s32 $_scs_section_size  }
0xa0: {  	s5 =	simm.s32 $_size__tile_overlayer_lowered;
	s6 =	simm.s32 $_tile_overlayer_lowered  }
0xa1: {  	s22 =	simm.s32 $0x1BFF;
	s21 =	sshll.u32 s6, $0x1;
	s3 =	sadd.s32 s19, s18  }
0xa2: {  	s7 =	simm.s32 $0x0;
	s20 =	sshll.u32 s5, $0x1;
	s5 =	sadd.s32 s21, s3  }
0xa3: {  	[timem:s7], [sflag:s22] =	dma.local [hbm:s5], s20  }
0xa4: {  	_ =	swait.ge [sflag:s22], s20  }
0xa5: {  	s4 =	ssub.s32 $0x0, s20;
	[sflag:s22] =	ssyncset.done $0x0  }
0xa6: {  	[sflag:s22] =	ssyncadd.s32 s4;
	_ =	sdelay $0x1  }
0xa7: {  	s23 =	simm.s32 $0x1B8B  }
0xa8: {  	_ =	swait.ge [sflag:s23], $0x1  }
0xa9: {  	[sflag:s23] =	ssyncset.done $0x0  }
0xaa: {  	s25 =	simm.s32 $0x1B8E;
	s24 =	sld [smem:$0x3FFE];
	[sflag:s23] =	ssyncadd.s32 $0xFFFFFFFF  }
0xab: {  	s26 =	simm.s32 $execute0_lowered;
	[smem:$0x3FD2] =	sst s25  }
0xac: {  	s5 =	sshll.u32 s26, $0x1;
	_ =	strace $0x80000046;
	[dreg:$0x1] =	wrdreg $0xFFFFFFFF  }
0xad: {  	s28 =	simm.s32 $_size_execute0_lowered;
	s3 =	sadd.s32 s3, s5;
	[dreg:$0x0] =	wrdreg $0x0  }
0xae: {  	s5 =	sshll.u32 s28, $0x1;
	[dreg:$0x2] =	wrdreg s3  }
0xaf: {  	[dreg:$0x3] =	wrdreg s5  }
0xb0: {  	[dreg:$0x4] =	wrdreg $0xC0  }
0xb1: {  	_ =	task [dreg:s7], $0x5FFFF  }
0xb2: {  	[dreg:$0x1] =	wrdreg $0xFFFFFFFF  }
0xb3: {  	[dreg:$0x0] =	wrdreg $0x60  }
0xb4: {  	[dreg:$0x2] =	wrdreg s16  }
0xb5: {  	[dreg:$0x3] =	wrdreg s24  }
0xb6: {  	[dreg:$0x4] =	wrdreg $0x0  }
0xb7: {  	[dreg:$0x5] =	wrdreg $0x9  }
0xb8: {  	_ =	task.clear_ibuf [dreg:s7], $0x6FFFF;
	_ =	strace $0x90000046  }
0xb9: {  	s29 =	simm.s32 $0x9;
	_ =	strace $0x80000048  }
0xba: {  	_ =	swait.ge [sflag:s29], $0x1  }
0xbb: {  	[sflag:s29] =	ssyncadd.s32 $0xFFFFFFFF  }
0xbc: {  	_ =	strace $0x90000048  }
0xbd: {  	_ =	sfence  }
0xbe: {  	s30 =	sld [smem:$0x0];
	_ =	sdelay $0x2  }
0xbf: {  	s31 =	sshll.u32 s1, $0xD;
	s1 =	sshrl.u32 s1, $0x2  }
0xc0: {  	s3 =	sand.u32 $0x4000, s31;
	s1 =	sadd.s32 s1, s30  }
0xc1: {  	s0 =	sor.u32 s3, s0;
	s1 =	sshll.u32 s1, $0x11  }
0xc2: {  	s0 =	sor.u32 s1, s0  }
0xc3: {  	s0 =	sadd.s32 $0x8F2B, s0  }
0xc4: {  	[sflag:s0] =	ssyncadd.remote.s32 $0x1  }
0xc5: {  	_ =	sfence.sel $0xFFFF  }
0xc6: {  	[dreg:$0x0] =	wrdreg $0xFFFFFFFF;
	(pc) =	sbr.abs _section_cstart, $3  }
0xc7: {  	[dreg:$0x1] =	wrdreg $0xFFFFFFFF  }
0xc8: {  	_ =	task.clear_ibuf [dreg:s7], $0x2FFFF;
	_ =	strace $0x9FFFFFFF  }
0xc9: {  	(tm) =	ssettm $0x7FFFFFFF  }
tec
execute0_lowered:
.L_overlay_start_1:
0x0: {  	(tag) =	ssettag $0x1  }
0x1: {  	s11 =	rddreg [dreg:$0x0]  }
0x2: {  	s4 =	rddreg [dreg:$0x1];
	s1 =	srdreg.scid  }
0x3: {  	s0 =	stileid.u32;
	s2 =	rddreg [dreg:$0x2]  }
0x4: {  	s3 =	simm.s32 $0x0;
	s15 =	simm.s32 $0x80;
	s5 =	smul.u32 $0x2800, s0  }
0x5: {  	s9 =	sand.u32 $0x1, s1;
	s1 =	rddreg [dreg:$0x3];
	s7 =	smul.u32 $0x50000, s0  }
0x6: {  	s18 =	simm.s32 $0x0;
	[smem:$0x7FF] =	sst s3;
	s13 =	smul.u32 $0xA00, s0  }
0x7: {  	s16 =	sshll.u32 s0, $0x6;
	s6 =	smul.u32 $0x28000, s9;
	_ =	strace $0x80000047  }
0x8: {  	s8 =	ssub.s32 $0x2, s9;
	s14 =	smul.u32 $0x500, s9;
	s16 =	sor.u32 $0x1C01, s16  }
0x9: {  	s31 =	sshrl.u32 s8, $0x1;
	s7 =	sshrl.u32 s7, $0x2;
	s11 =	sadd.s32 s13, s11  }
0xa: {  	s13 =	simm.s32 $0x1;
	s5 =	sadd.s32 s5, s6;
	s12 =	ssub.s32 s8, s31  }
0xb: {  	s11 =	sadd.s32 s14, s11;
	s10 =	sadd.s32 s5, s4;
	s4 =	sadd.s32 s7, s2  }
0xc: {  	s14 =	simm.s32 $0x6800;
	s5 =	sadd.s32 $0x4000, s4;
	s6 =	sadd.s32 $0x8000, s4  }
0xd: {  	s7 =	sadd.s32 $0xC000, s4;
	s8 =	sadd.s32 $0x10000, s4;
	s9 =	sadd.s32 $0x1600, s10  }
0xe: {  	v0 =	vimm.f32 $0.0e+00;
	v1 =	vimm.f32 $1.000000000e+00;
	s10 =	smax.u32 s12, $0x1;
	s12 =	simm.s32 $0x2800;
	s17 =	sshrl.u32 s4, $0x3  }
.LBB2_1:
0xf: {  	s19 =	simm.s32 $0x200;
	s20 =	simm.s32 $0x0  }
.LBB2_2:
0x10: {  	p0 =	sne.s32 s19, $0xFE00;
	[tilespmem:s20+$0x2800] =	vst v0;
	s20 =	smov.u32 s19;
	s19 =	sadd.s32 $0x200, s19  }
.Ltmp0:
0x11: {  	(pc) =	sbr.rel @p0 .LBB2_2-.Ltmp0, $2  }
0x12: {  	_ =	sdelay $0x2  }
0x13: {  	s20 =	sshra.s32 s20, $0x2  }
0x14: {  	[tilespmem:s20+$0x2800] =	vst v0  }
0x15: {  	[spmem:s4] =	stream.linear.scatter [tilespmem:s12], [sflag:$0x1], $0x4000, $0x38;
	[tilespmem:$0x6880] =	vst v63  }
0x16: {  	_ =	swait.ge [sflag:s13], $0x4000  }
0x17: {  	[sflag:s13] =	ssyncset.done $0x0  }
0x18: {  	[sflag:s13] =	ssyncadd.s32 $0xFFFFC000  }
0x19: {  	[spmem:s5] =	stream.linear.scatter [tilespmem:s12], [sflag:$0x1], $0x4000, $0x38;
	[tilespmem:$0x6880] =	vst v63  }
0x1a: {  	_ =	swait.ge [sflag:s13], $0x4000  }
0x1b: {  	[sflag:s13] =	ssyncset.done $0x0  }
0x1c: {  	[sflag:s13] =	ssyncadd.s32 $0xFFFFC000  }
0x1d: {  	[spmem:s6] =	stream.linear.scatter [tilespmem:s12], [sflag:$0x1], $0x4000, $0x38;
	[tilespmem:$0x6880] =	vst v63  }
0x1e: {  	_ =	swait.ge [sflag:s13], $0x4000  }
0x1f: {  	[sflag:s13] =	ssyncset.done $0x0  }
0x20: {  	[sflag:s13] =	ssyncadd.s32 $0xFFFFC000  }
0x21: {  	[spmem:s7] =	stream.linear.scatter [tilespmem:s12], [sflag:$0x1], $0x4000, $0x38;
	[tilespmem:$0x6880] =	vst v63  }
0x22: {  	_ =	swait.ge [sflag:s13], $0x4000  }
0x23: {  	[sflag:s13] =	ssyncset.done $0x0  }
0x24: {  	[sflag:s13] =	ssyncadd.s32 $0xFFFFC000  }
0x25: {  	[spmem:s8] =	stream.linear.scatter [tilespmem:s12], [sflag:$0x1], $0x4000, $0x38;
	[tilespmem:$0x6880] =	vst v63  }
0x26: {  	_ =	swait.ge [sflag:s13], $0x4000  }
0x27: {  	[sflag:s13] =	ssyncset.done $0x0  }
0x28: {  	s19 =	simm.s32 $0x200;
	s20 =	simm.s32 $0x0;
	[sflag:s13] =	ssyncadd.s32 $0xFFFFC000  }
.LBB2_4:
0x29: {  	p0 =	sne.s32 s19, $0xFE00;
	[tilespmem:s20+$0x2800] =	vst v1;
	s20 =	smov.u32 s19;
	s19 =	sadd.s32 $0x200, s19  }
.Ltmp1:
0x2a: {  	(pc) =	sbr.rel @p0 .LBB2_4-.Ltmp1, $2  }
0x2b: {  	_ =	sdelay $0x2  }
0x2c: {  	s20 =	sshra.s32 s20, $0x2  }
0x2d: {  	[tilespmem:s20+$0x2800] =	vst v1  }
0x2e: {  	s19 =	sadd.s32 $0x0, s11;
	[bflag:$0x0] =	sbarrier.arrive $0xFFFF  }
0x2f: {  	[tilespmem:s14], [sflag:$0x1] =	stream.linear.gather [hbm4b:s19+s3], $0x80, $0x38;
	[tilespmem:$0x6880] =	vst v63  }
0x30: {  	_ =	swait.ge [sflag:s13], $0x80  }
0x31: {  	[sflag:s13] =	ssyncset.done $0x0  }
0x32: {  	[sflag:s13] =	ssyncadd.s32 $0xFFFFFF80  }
0x33: {  	[spmem:s2] =	stream.indirect.scatter.add.f32 [tilespmem:s12], [sflag:$0x1], $0x10, s14, s15, $0xb8;
	[tilespmem:$0x6880] =	vst v63  }
0x34: {  	_ =	swait.ge [sflag:s13], $0x800  }
0x35: {  	s20 =	simm.s32 $0x20;
	s19 =	simm.s32 $0x10;
	[sflag:s13] =	ssyncset.done $0x0  }
.LBB2_6:
0x36: {  	s21 =	sadd.s32 s19, s11  }
0x37: {  	[sflag:s13] =	ssyncadd.s32 $0xFFFFF800;
	s19 =	smov.u32 s20;
	s22 =	sadd.s32 $0x10, s20  }
0x38: {  	[tilespmem:s14], [sflag:$0x1] =	stream.linear.gather [hbm4b:s21+s3], $0x80, $0x38;
	[tilespmem:$0x6880] =	vst v63  }
0x39: {  	p0 =	sne.s32 s20, $0x4F0;
	_ =	swait.ge [sflag:s13], $0x80  }
.Ltmp2:
0x3a: {  	[sflag:s13] =	ssyncset.done $0x0;
	(pc) =	sbr.rel @p0 .LBB2_6-.Ltmp2, $4  }
0x3b: {  	[sflag:s13] =	ssyncadd.s32 $0xFFFFFF80  }
0x3c: {  	[spmem:s2] =	stream.indirect.scatter.add.f32 [tilespmem:s12], [sflag:$0x1], $0x10, s14, s15, $0xb8;
	[tilespmem:$0x6880] =	vst v63  }
0x3d: {  	_ =	swait.ge [sflag:s13], $0x800  }
0x3e: {  	s20 =	smov.u32 s22;
	[sflag:s13] =	ssyncset.done $0x0  }
0x3f: {  	s19 =	sadd.s32 s19, s11;
	[sflag:s13] =	ssyncadd.s32 $0xFFFFF800  }
0x40: {  	[tilespmem:s14], [sflag:$0x1] =	stream.linear.gather [hbm4b:s19+s3], $0x80, $0x38;
	[tilespmem:$0x6880] =	vst v63  }
0x41: {  	_ =	swait.ge [sflag:s13], $0x80  }
0x42: {  	[sflag:s13] =	ssyncset.done $0x0  }
0x43: {  	[sflag:s13] =	ssyncadd.s32 $0xFFFFFF80  }
0x44: {  	[spmem:s2] =	stream.indirect.scatter.add.f32 [tilespmem:s12], [sflag:$0x1], $0x10, s14, s15, $0xb8;
	[tilespmem:$0x6880] =	vst v63  }
0x45: {  	_ =	swait.ge [sflag:s13], $0x800  }
0x46: {  	s18 =	sadd.s32 $0x1, s18;
	[sflag:s13] =	ssyncset.done $0x0  }
0x47: {  	p0 =	sne.s32 s18, s10;
	[sflag:s13] =	ssyncadd.s32 $0xFFFFF800  }
.Ltmp3:
0x48: {  	[bflag:$0x0] =	sbarrier.arrive $0xFFFF;
	(pc) =	sbr.rel @p0 .LBB2_1-.Ltmp3, $4  }
0x49: {  	[hbm:s9], [sflag:s16] =	dma.local [spmem:s17], $0x2800  }
0x4a: {  	_ =	swait.ge [sflag:s13], $0x2800  }
0x4b: {  	[sflag:s13] =	ssyncset.done $0x0  }
0x4c: {  	[sflag:s13] =	ssyncadd.s32 $0xFFFFD800  }
0x4d: {  	_ =	sfence.sel $0x180000  }
0x4e: {  	[bflag:$0x0] =	sbarrier.arrive $0xFFFF  }
0x4f: {  	p0 =	sne.s32 s0, $0x0;
	_ =	strace $0x90000047  }
0x50: {  	s0 =	sadd.s32 @!p0 $0x100000, s1;
	[bflag:$0x2] =	sbarrier.arrive $0xFFFF  }
0x51: {  	[sflag:s0] =	ssyncadd.tile.s32 @!p0 $0x1;
	_ =	shalt  }
.Lfunc_end2:
_tile_overlayer_lowered:
.L_overlay_start_2:
0x52: {  	(tag) =	ssettag $0x2  }
0x53: {  	s0 =	rddreg [dreg:$0x0];
	s2 =	stileid.u32  }
0x54: {  	s1 =	rddreg [dreg:$0x1];
	p0 =	sne.s32 s2, $0x0  }
0x55: {  	s3 =	rddreg [dreg:$0x2];
	[bflag:$0x3] =	sbarrier.arrive $0xFFFF;
	s2 =	simm.s32 @!p0 $0x1C01  }
0x56: {  	[timem:s3], [sflag:s2] =	dma.local @!p0 [hbm:s0], s1  }
0x57: {  	s0 =	simm.s32 @!p0 $0x1  }
0x58: {  	_ =	swait.ge @!p0 [sflag:s0], s1  }
0x59: {  	s1 =	ssub.s32 @!p0 $0x0, s1;
	[sflag:s0] =	ssyncset.done @!p0 $0x0  }
0x5a: {  	[sflag:s0] =	ssyncadd.s32 @!p0 s1  }
0x5b: {  	[bflag:$0x3] =	sbarrier.arrive $0xFFFF  }
0x5c: {  	_ =	shalt  }

// kernel: kernel.9.cloned.1.call-start
scs
__scs_entry_jumppad:
0x0: {  	(pc) =	sbr.rel $0x88, $3  }
0x1: {  	(tag) =	ssettag $0x0;
	lr =	simm.s32 $0x1  }
0x2: {  	[smem:$0x3F9B] =	sst lr;
	_ =	strace $0xD0000000  }
0x3: {  	_ = 	snop  }
0x4: {  	_ = 	snop  }
0x5: {  	_ = 	snop  }
0x6: {  	_ = 	snop  }
0x7: {  	_ = 	snop  }
__scs_overlays_trampoline_lowered:
0x8: {  	[smem:$0x3FAA] =	sst s0  }
0x9: {  	[smem:$0x3FAB] =	sst s1  }
0xa: {  	[smem:$0x3FAC] =	sst s2  }
0xb: {  	[smem:$0x3FAD] =	sst s3  }
0xc: {  	[smem:$0x3FAE] =	sst s4  }
0xd: {  	[smem:$0x3FAF] =	sst s5  }
0xe: {  	[smem:$0x3FB0] =	sst s6  }
0xf: {  	[smem:$0x3FB1] =	sst s7  }
0x10: {  	[smem:$0x3FB2] =	sst s8  }
0x11: {  	[smem:$0x3FB3] =	sst s9;
	s0 =	simm.s32 @!p0 $0x0  }
0x12: {  	s1 =	sld [smem:$0x3F99];
	s0 =	simm.s32 @p0 $0x1  }
0x13: {  	[smem:$0x3FB4] =	sst s0;
	s0 =	simm.s32 @!p1 $0x0  }
0x14: {  	s2 =	sld [smem:$0x3F98];
	s0 =	simm.s32 @p1 $0x1  }
0x15: {  	[smem:$0x3FB5] =	sst s0;
	s0 =	simm.s32 @!p2 $0x0  }
0x16: {  	s3 =	sld [smem:$0x3FDB];
	s0 =	simm.s32 @p2 $0x1  }
0x17: {  	s4 =	simm.s32 $0x1BF5;
	[smem:$0x3FB7] =	sst s0  }
0x18: {  	s0 =	sld [smem:$0x3F9A];
	_ =	swait.ge [sflag:s4], $0x0  }
0x19: {  	s7 =	sld [smem:$0x3F9B]  }
0x1a: {  	s8 =	sadd.s32 $0xFFFFE003, lr  }
0x1b: {  	s9 =	sadd.s32 $0xFFFFFEF7, lr;
	s5 =	simm.s32 $0xFFFFFFFF;
	p2 =	slt.u32 s8, $0xFFFFF086  }
0x1c: {  	p1 =	slt.u32 s9, $0xF7A;
	s5 =	simm.s32 @!p2 $0x0  }
0x1d: {  	s5 =	simm.s32 @p1 $0x1;
	p0 =	seq.s32 s7, s2  }
0x1e: {  	s7 =	smul.u32 @!p0 $0xF7A, s2;
	p2 =	seq.s32 @!p0 s5, $0x0  }
0x1f: {  	s9 =	smul.u32 $0xF7A, s1;
	s8 =	simm.s32 @!p0 $0x1BF5;
	p2 =	por !p2, p0  }
0x20: {  	[sflag:s8] =	ssyncset.s32 @!p0 $0xFFFFF086;
	s6 =	sadd.s32 @!p0 s3, s7;
	s7 =	simm.s32 @!p0 $0x108  }
0x21: {  	s3 =	sadd.s32 s3, s9;
	s6 =	sadd.s32 @!p0 $0x88, s6;
	s7 =	simm.s32 @p2 $0x1082  }
0x22: {  	[simem:s7], [sflag:s8] =	dma.local @!p0 [hbm:s6], $0xF7A  }
0x23: {  	s9 =	sor.u32 $0xD0000000, s2;
	s6 =	simm.s32 $0x108;
	_ =	swait.ge @!p0 [sflag:s8], $0x0  }
0x24: {  	s3 =	sadd.s32 $0x88, s3;
	s6 =	simm.s32 @!p1 $0x1082;
	[sflag:s4] =	ssyncset.s32 $0xFFFFF086  }
0x25: {  	[simem:s6], [sflag:s4] =	dma.local [hbm:s3], $0xF7A  }
0x26: {  	[smem:$0x3F9B] =	sst s1;
	(tag) =	ssettag s2;
	_ =	strace s9  }
0x27: {  	s1 =	sld [smem:$0x3FAB]  }
0x28: {  	s2 =	sld [smem:$0x3FAC]  }
0x29: {  	s4 =	sld [smem:$0x3FAE]  }
0x2a: {  	p0 =	seq.s32 s5, $0x0;
	s5 =	sld [smem:$0x3FAF]  }
0x2b: {  	s6 =	sld [smem:$0x3FB0]  }
0x2c: {  	s7 =	sld [smem:$0x3FB1]  }
0x2d: {  	s3 =	simm.s32 $0x108;
	s8 =	sld [smem:$0x3FB2]  }
0x2e: {  	s3 =	simm.s32 @!p0 $0x1082;
	s9 =	sld [smem:$0x3FB3]  }
0x2f: {  	lr =	sadd.s32 s0, s3;
	s0 =	sld [smem:$0x3FAA]  }
0x30: {  	s3 =	sld [smem:$0x3FAD]  }
0x31: {  	[smem:$0x3FB6] =	sst s10  }
0x32: {  	s10 =	sld [smem:$0x3FB4];
	_ =	sdelay $0x3  }
0x33: {  	p0 =	seq.s32 s10, $0x1;
	s10 =	sld [smem:$0x3FB6];
	_ =	sdelay $0x3  }
0x34: {  	[smem:$0x3FB6] =	sst s10  }
0x35: {  	s10 =	sld [smem:$0x3FB5];
	_ =	sdelay $0x3  }
0x36: {  	p1 =	seq.s32 s10, $0x1;
	s10 =	sld [smem:$0x3FB6];
	_ =	sdelay $0x3  }
0x37: {  	[smem:$0x3FB6] =	sst s10  }
0x38: {  	s10 =	sld [smem:$0x3FB7]  }
0x39: {  	_ = 	snop;
	(pc) =	sbr.ind lr, $3  }
0x3a: {  	_ = 	snop  }
0x3b: {  	_ = 	snop  }
0x3c: {  	p2 =	seq.s32 s10, $0x1;
	s10 =	sld [smem:$0x3FB6]  }
0x3d: {  	_ =	shalt  }
0x3e: {  	_ =	shalt  }
0x3f: {  	_ =	shalt  }
0x40: {  	_ =	shalt  }
0x41: {  	_ =	shalt  }
0x42: {  	_ =	shalt  }
0x43: {  	_ =	shalt  }
0x44: {  	_ =	shalt  }
0x45: {  	_ =	shalt  }
0x46: {  	_ =	shalt  }
0x47: {  	_ =	shalt  }
0x48: {  	_ =	shalt  }
0x49: {  	_ =	shalt  }
0x4a: {  	_ =	shalt  }
0x4b: {  	_ =	shalt  }
0x4c: {  	_ =	shalt  }
0x4d: {  	_ =	shalt  }
0x4e: {  	_ =	shalt  }
0x4f: {  	_ =	shalt  }
0x50: {  	_ =	shalt  }
0x51: {  	_ =	shalt  }
0x52: {  	_ =	shalt  }
0x53: {  	_ =	shalt  }
0x54: {  	_ =	shalt  }
0x55: {  	_ =	shalt  }
0x56: {  	_ =	shalt  }
0x57: {  	_ =	shalt  }
0x58: {  	_ =	shalt  }
0x59: {  	_ =	shalt  }
0x5a: {  	_ =	shalt  }
0x5b: {  	_ =	shalt  }
0x5c: {  	_ =	shalt  }
0x5d: {  	_ =	shalt  }
0x5e: {  	_ =	shalt  }
0x5f: {  	_ =	shalt  }
0x60: {  	_ =	shalt  }
0x61: {  	_ =	shalt  }
0x62: {  	_ =	shalt  }
0x63: {  	_ =	shalt  }
0x64: {  	_ =	shalt  }
0x65: {  	_ =	shalt  }
0x66: {  	_ =	shalt  }
0x67: {  	_ =	shalt  }
0x68: {  	_ =	shalt  }
0x69: {  	_ =	shalt  }
0x6a: {  	_ =	shalt  }
0x6b: {  	_ =	shalt  }
0x6c: {  	_ =	shalt  }
0x6d: {  	_ =	shalt  }
0x6e: {  	_ =	shalt  }
0x6f: {  	_ =	shalt  }
0x70: {  	_ =	shalt  }
0x71: {  	_ =	shalt  }
0x72: {  	_ =	shalt  }
0x73: {  	_ =	shalt  }
0x74: {  	_ =	shalt  }
0x75: {  	_ =	shalt  }
0x76: {  	_ =	shalt  }
0x77: {  	_ =	shalt  }
0x78: {  	_ =	shalt  }
0x79: {  	_ =	shalt  }
0x7a: {  	_ =	shalt  }
0x7b: {  	_ =	shalt  }
0x7c: {  	_ =	shalt  }
0x7d: {  	_ =	shalt  }
0x7e: {  	_ =	shalt  }
0x7f: {  	_ =	shalt  }
0x80: {  	_ =	shalt  }
0x81: {  	_ =	shalt  }
0x82: {  	_ =	shalt  }
0x83: {  	_ =	shalt  }
0x84: {  	_ =	shalt  }
0x85: {  	_ =	shalt  }
0x86: {  	_ =	shalt  }
0x87: {  	_ =	shalt  }
.Lfunc_end0:
.L_simem_size_0:
called_computation.1_lowered:
.L_overlay_start_0:
0x88: {  	s2 =	sld [smem:$0x3FD9]  }
0x89: {  	s3 =	sld [smem:$0x3FFE];
	_ =	sdelay $0x1  }
0x8a: {  	s1 =	srdreg.scid  }
0x8b: {  	s0 =	sand.u32 $0x1, s1  }
0x8c: {  	s14 =	sshll.u32 s0, $0xA;
	s2 =	sadd.s32 s3, s2  }
0x8d: {  	s2 =	sadd.s32 s2, s14  }
0x8e: {  	[smem:$0x3FC2] =	sst s2  }
0x8f: {  	_ = 	snop  }
0x90: {  	s2 =	sld [smem:$0x3FD0];
	_ =	sdelay $0x2  }
0x91: {  	s15 =	simm.s32 $0xA;
	s4 =	simm.s32 $0x10  }
0x92: {  	[smem:s4], [sflag:s15] =	dma.local [hbm:s2], $0x1  }
0x93: {  	_ =	swait.eq [sflag:s15], $0x1  }
0x94: {  	[sflag:s15] =	ssyncset.done $0x0  }
0x95: {  	s16 =	sld [smem:$0x10];
	[sflag:s15] =	ssyncadd.s32 $0xFFFFFFFF  }
0x96: {  	s17 =	sld [smem:$0x11];
	(tm) =	ssettm $0x1  }
0x97: {  	s18 =	sld [smem:$0x3FFB];
	_ =	sdelay $0x3  }
0x98: {  	_ =	strace s18  }
0x99: {  	s4 =	sld [smem:$0x3FFC];
	_ =	sdelay $0x3  }
0x9a: {  	_ =	strace s4  }
0x9b: {  	s4 =	sld [smem:$0x3FFD];
	_ =	sdelay $0x3  }
0x9c: {  	_ =	strace s4  }
0x9d: {  	_ =	strace $0x8FFFFFFF  }
0x9e: {  	s19 =	sld [smem:$0x3FDB];
	_ =	sdelay $0x1  }
0x9f: {  	s5 =	simm.s32 $_scs_section_size  }
0xa0: {  	s6 =	simm.s32 $_size__tile_overlayer_lowered;
	s7 =	simm.s32 $_tile_overlayer_lowered  }
0xa1: {  	s22 =	simm.s32 $0x1BFF;
	s21 =	sshll.u32 s7, $0x1;
	s4 =	sadd.s32 s5, s19  }
0xa2: {  	s8 =	simm.s32 $0x0;
	s20 =	sshll.u32 s6, $0x1;
	s6 =	sadd.s32 s21, s4  }
0xa3: {  	[timem:s8], [sflag:s22] =	dma.local [hbm:s6], s20  }
0xa4: {  	_ =	swait.ge [sflag:s22], s20  }
0xa5: {  	s5 =	ssub.s32 $0x0, s20;
	[sflag:s22] =	ssyncset.done $0x0  }
0xa6: {  	[sflag:s22] =	ssyncadd.s32 s5;
	_ =	sdelay $0x1  }
0xa7: {  	s23 =	simm.s32 $0x1B8B  }
0xa8: {  	_ =	swait.ge [sflag:s23], $0x1  }
0xa9: {  	[sflag:s23] =	ssyncset.done $0x0  }
0xaa: {  	s25 =	simm.s32 $0x1B8E;
	s24 =	sld [smem:$0x3FFE];
	[sflag:s23] =	ssyncadd.s32 $0xFFFFFFFF  }
0xab: {  	s26 =	simm.s32 $execute0_lowered;
	[smem:$0x3FD2] =	sst s25  }
0xac: {  	s6 =	sshll.u32 s26, $0x1;
	_ =	strace $0x80000049;
	[dreg:$0x1] =	wrdreg $0xFFFFFFFF  }
0xad: {  	s28 =	simm.s32 $_size_execute0_lowered;
	s4 =	sadd.s32 s4, s6;
	[dreg:$0x0] =	wrdreg $0x0  }
0xae: {  	s6 =	sshll.u32 s28, $0x1;
	[dreg:$0x2] =	wrdreg s4  }
0xaf: {  	[dreg:$0x3] =	wrdreg s6  }
0xb0: {  	[dreg:$0x4] =	wrdreg $0xC0  }
0xb1: {  	_ =	task [dreg:s8], $0x5FFFF  }
0xb2: {  	[dreg:$0x1] =	wrdreg $0xFFFFFFFF  }
0xb3: {  	[dreg:$0x0] =	wrdreg $0x60  }
0xb4: {  	[dreg:$0x2] =	wrdreg s16  }
0xb5: {  	[dreg:$0x3] =	wrdreg s24  }
0xb6: {  	[dreg:$0x4] =	wrdreg s17  }
0xb7: {  	[dreg:$0x5] =	wrdreg $0x0  }
0xb8: {  	[dreg:$0x6] =	wrdreg $0x9  }
0xb9: {  	_ =	task.clear_ibuf [dreg:s8], $0x7FFFF;
	_ =	strace $0x90000049  }
0xba: {  	s29 =	simm.s32 $0x9;
	_ =	strace $0x8000004B  }
0xbb: {  	_ =	swait.ge [sflag:s29], $0x1  }
0xbc: {  	[sflag:s29] =	ssyncadd.s32 $0xFFFFFFFF  }
0xbd: {  	_ =	strace $0x9000004B  }
0xbe: {  	_ =	sfence  }
0xbf: {  	s30 =	sld [smem:$0x0];
	_ =	sdelay $0x2  }
0xc0: {  	s31 =	sshll.u32 s1, $0xD;
	s1 =	sshrl.u32 s1, $0x2  }
0xc1: {  	s3 =	sand.u32 $0x4000, s31;
	s1 =	sadd.s32 s1, s30  }
0xc2: {  	s0 =	sor.u32 s3, s0;
	s1 =	sshll.u32 s1, $0x11  }
0xc3: {  	s0 =	sor.u32 s1, s0  }
0xc4: {  	s0 =	sadd.s32 $0x8F2B, s0  }
0xc5: {  	[sflag:s0] =	ssyncadd.remote.s32 $0x1  }
0xc6: {  	_ =	sfence.sel $0xFFFF  }
0xc7: {  	[dreg:$0x0] =	wrdreg $0xFFFFFFFF;
	(pc) =	sbr.abs _section_cstart, $3  }
0xc8: {  	[dreg:$0x1] =	wrdreg $0xFFFFFFFF  }
0xc9: {  	_ =	task.clear_ibuf [dreg:s8], $0x2FFFF;
	_ =	strace $0x9FFFFFFF  }
0xca: {  	(tm) =	ssettm $0x7FFFFFFF  }
0xcb: {  	_ =	shalt  }
tec
execute0_lowered:
.L_overlay_start_1:
0x0: {  	(tag) =	ssettag $0x1  }
0x1: {  	s1 =	rddreg [dreg:$0x0]  }
0x2: {  	s5 =	rddreg [dreg:$0x1]  }
0x3: {  	s11 =	rddreg [dreg:$0x2];
	s0 =	stileid.u32  }
0x4: {  	s2 =	srdreg.scid;
	s3 =	rddreg [dreg:$0x3];
	s4 =	simm.s32 $0x0  }
0x5: {  	s16 =	simm.s32 $0x18000;
	s17 =	simm.s32 $0x18080;
	s12 =	smul.u32 $0xA00, s0  }
0x6: {  	s18 =	simm.s32 $0x80;
	s21 =	simm.s32 $0x0;
	s6 =	smul.u32 $0x2800, s0  }
0x7: {  	s7 =	sand.u32 $0x1, s2;
	s2 =	rddreg [dreg:$0x4];
	s9 =	smul.u32 $0x50000, s0  }
0x8: {  	[smem:$0x7FF] =	sst s4;
	s19 =	sshll.u32 s0, $0x6;
	s8 =	smul.u32 $0x28000, s7  }
0x9: {  	_ =	strace $0x8000004A;
	s30 =	ssub.s32 $0x2, s7;
	s15 =	smul.u32 $0x500, s7  }
0xa: {  	s19 =	sor.u32 $0x1C01, s19;
	s13 =	sadd.s32 s12, s5;
	s9 =	sshrl.u32 s9, $0x2  }
0xb: {  	s31 =	sshrl.u32 s30, $0x1;
	s12 =	sadd.s32 s12, s11;
	s6 =	sadd.s32 s6, s8  }
0xc: {  	s14 =	ssub.s32 s30, s31;
	s13 =	sadd.s32 s15, s13;
	s12 =	sadd.s32 s15, s12  }
0xd: {  	s15 =	simm.s32 $0x1;
	s10 =	sadd.s32 s6, s5;
	s5 =	sadd.s32 s9, s3  }
0xe: {  	s11 =	smax.u32 s14, $0x1;
	s13 =	sadd.s32 $0x51600, s13;
	s14 =	simm.s32 $0x14000  }
0xf: {  	s6 =	sadd.s32 $0x4000, s5;
	s7 =	sadd.s32 $0x8000, s5;
	s8 =	sadd.s32 $0xC000, s5  }
0x10: {  	v0 =	vimm.f32 $0.0e+00;
	s9 =	sadd.s32 $0x10000, s5;
	s10 =	sadd.s32 $0x1600, s10;
	s20 =	sshrl.u32 s5, $0x3  }
.LBB2_1:
0x11: {  	s22 =	simm.s32 $0x0;
	s23 =	simm.s32 $0x200  }
.LBB2_2:
0x12: {  	p0 =	sne.s32 s23, $0xFE00;
	[tilespmem:s22+$0x14070] =	vst v0  }
0x13: {  	[tilespmem:s22+$0x14000] =	vst v0  }
0x14: {  	[tilespmem:s22+$0x14010] =	vst v0  }
.Ltmp0:
0x15: {  	[tilespmem:s22+$0x14020] =	vst v0;
	(pc) =	sbr.rel @p0 .LBB2_2-.Ltmp0, $4  }
0x16: {  	[tilespmem:s22+$0x14030] =	vst v0  }
0x17: {  	[tilespmem:s22+$0x14040] =	vst v0  }
0x18: {  	[tilespmem:s22+$0x14050] =	vst v0  }
0x19: {  	[tilespmem:s22+$0x14060] =	vst v0;
	s22 =	sshra.s32 s23, $0x2;
	s23 =	sadd.s32 $0x200, s23  }
0x1a: {  	[tilespmem:s22+$0x14070] =	vst v0  }
0x1b: {  	[tilespmem:s22+$0x14000] =	vst v0  }
0x1c: {  	[tilespmem:s22+$0x14010] =	vst v0  }
0x1d: {  	[tilespmem:s22+$0x14020] =	vst v0  }
0x1e: {  	[tilespmem:s22+$0x14030] =	vst v0  }
0x1f: {  	[tilespmem:s22+$0x14040] =	vst v0  }
0x20: {  	[tilespmem:s22+$0x14050] =	vst v0  }
0x21: {  	[tilespmem:s22+$0x14060] =	vst v0  }
0x22: {  	[spmem:s5] =	stream.linear.scatter [tilespmem:s14], [sflag:$0x1], $0x4000, $0x38;
	[tilespmem:$0x18100] =	vst v63  }
0x23: {  	_ =	swait.ge [sflag:s15], $0x4000  }
0x24: {  	[sflag:s15] =	ssyncset.done $0x0  }
0x25: {  	[sflag:s15] =	ssyncadd.s32 $0xFFFFC000  }
0x26: {  	[spmem:s6] =	stream.linear.scatter [tilespmem:s14], [sflag:$0x1], $0x4000, $0x38;
	[tilespmem:$0x18100] =	vst v63  }
0x27: {  	_ =	swait.ge [sflag:s15], $0x4000  }
0x28: {  	[sflag:s15] =	ssyncset.done $0x0  }
0x29: {  	[sflag:s15] =	ssyncadd.s32 $0xFFFFC000  }
0x2a: {  	[spmem:s7] =	stream.linear.scatter [tilespmem:s14], [sflag:$0x1], $0x4000, $0x38;
	[tilespmem:$0x18100] =	vst v63  }
0x2b: {  	_ =	swait.ge [sflag:s15], $0x4000  }
0x2c: {  	[sflag:s15] =	ssyncset.done $0x0  }
0x2d: {  	[sflag:s15] =	ssyncadd.s32 $0xFFFFC000  }
0x2e: {  	[spmem:s8] =	stream.linear.scatter [tilespmem:s14], [sflag:$0x1], $0x4000, $0x38;
	[tilespmem:$0x18100] =	vst v63  }
0x2f: {  	_ =	swait.ge [sflag:s15], $0x4000  }
0x30: {  	[sflag:s15] =	ssyncset.done $0x0  }
0x31: {  	[sflag:s15] =	ssyncadd.s32 $0xFFFFC000  }
0x32: {  	[spmem:s9] =	stream.linear.scatter [tilespmem:s14], [sflag:$0x1], $0x4000, $0x38;
	[tilespmem:$0x18100] =	vst v63  }
0x33: {  	_ =	swait.ge [sflag:s15], $0x4000  }
0x34: {  	[sflag:s15] =	ssyncset.done $0x0  }
0x35: {  	[sflag:s15] =	ssyncadd.s32 $0xFFFFC000  }
0x36: {  	s30 =	sadd.s32 $0x0, s13;
	[bflag:$0x0] =	sbarrier.arrive $0xFFFF  }
0x37: {  	[tilespmem:s16], [sflag:$0x1] =	stream.linear.gather [hbm4b:s30+s4], $0x80, $0x38;
	[tilespmem:$0x18100] =	vst v63  }
0x38: {  	_ =	swait.ge [sflag:s15], $0x80  }
0x39: {  	[sflag:s15] =	ssyncset.done $0x0  }
0x3a: {  	s31 =	sadd.s32 $0x0, s12;
	[sflag:s15] =	ssyncadd.s32 $0xFFFFFF80  }
0x3b: {  	[tilespmem:s17], [sflag:$0x1] =	stream.linear.gather [hbm4b:s31+s4], $0x80, $0x38;
	[tilespmem:$0x18100] =	vst v63  }
0x3c: {  	_ =	swait.ge [sflag:s15], $0x80  }
0x3d: {  	[sflag:s15] =	ssyncset.done $0x0  }
0x3e: {  	[sflag:s15] =	ssyncadd.s32 $0xFFFFFF80  }
0x3f: {  	[tilespmem:s14], [sflag:$0x1] =	stream.indirect.gather [hbm4b:s1+s18], $0x80, s16, s18, $0xb8;
	[tilespmem:$0x18100] =	vst v63  }
0x40: {  	_ =	swait.ge [sflag:s15], $0x4000  }
0x41: {  	[sflag:s15] =	ssyncset.done $0x0  }
0x42: {  	[sflag:s15] =	ssyncadd.s32 $0xFFFFC000  }
0x43: {  	[spmem:s3] =	stream.indirect.scatter.add.f32 [tilespmem:s14], [sflag:$0x1], $0x80, s17, s18, $0xb8;
	[tilespmem:$0x18100] =	vst v63  }
0x44: {  	_ =	swait.ge [sflag:s15], $0x4000  }
0x45: {  	s22 =	simm.s32 $0x10;
	s23 =	simm.s32 $0x20;
	[sflag:s15] =	ssyncset.done $0x0  }
.LBB2_4:
0x46: {  	s24 =	sadd.s32 s22, s13  }
0x47: {  	[sflag:s15] =	ssyncadd.s32 $0xFFFFC000;
	s25 =	smov.u32 s23;
	s26 =	sadd.s32 $0x10, s23  }
0x48: {  	[tilespmem:s16], [sflag:$0x1] =	stream.linear.gather [hbm4b:s24+s4], $0x80, $0x38;
	[tilespmem:$0x18100] =	vst v63  }
0x49: {  	p0 =	sne.s32 s23, $0x4F0;
	_ =	swait.ge [sflag:s15], $0x80  }
0x4a: {  	[sflag:s15] =	ssyncset.done $0x0  }
0x4b: {  	s23 =	sadd.s32 s22, s12;
	s22 =	smov.u32 s25;
	[sflag:s15] =	ssyncadd.s32 $0xFFFFFF80  }
0x4c: {  	[tilespmem:s17], [sflag:$0x1] =	stream.linear.gather [hbm4b:s23+s4], $0x80, $0x38;
	[tilespmem:$0x18100] =	vst v63  }
0x4d: {  	_ =	swait.ge [sflag:s15], $0x80  }
0x4e: {  	[sflag:s15] =	ssyncset.done $0x0  }
0x4f: {  	[sflag:s15] =	ssyncadd.s32 $0xFFFFFF80  }
0x50: {  	[tilespmem:s14], [sflag:$0x1] =	stream.indirect.gather [hbm4b:s1+s18], $0x80, s16, s18, $0xb8;
	[tilespmem:$0x18100] =	vst v63  }
0x51: {  	_ =	swait.ge [sflag:s15], $0x4000  }
.Ltmp1:
0x52: {  	[sflag:s15] =	ssyncset.done $0x0;
	(pc) =	sbr.rel @p0 .LBB2_4-.Ltmp1, $4  }
0x53: {  	[sflag:s15] =	ssyncadd.s32 $0xFFFFC000  }
0x54: {  	[spmem:s3] =	stream.indirect.scatter.add.f32 [tilespmem:s14], [sflag:$0x1], $0x80, s17, s18, $0xb8;
	[tilespmem:$0x18100] =	vst v63  }
0x55: {  	_ =	swait.ge [sflag:s15], $0x4000  }
0x56: {  	s23 =	smov.u32 s26;
	[sflag:s15] =	ssyncset.done $0x0  }
0x57: {  	s23 =	sadd.s32 s22, s13;
	[sflag:s15] =	ssyncadd.s32 $0xFFFFC000  }
0x58: {  	[tilespmem:s16], [sflag:$0x1] =	stream.linear.gather [hbm4b:s23+s4], $0x80, $0x38;
	[tilespmem:$0x18100] =	vst v63  }
0x59: {  	_ =	swait.ge [sflag:s15], $0x80  }
0x5a: {  	[sflag:s15] =	ssyncset.done $0x0  }
0x5b: {  	s31 =	sadd.s32 s22, s12;
	[sflag:s15] =	ssyncadd.s32 $0xFFFFFF80  }
0x5c: {  	[tilespmem:s17], [sflag:$0x1] =	stream.linear.gather [hbm4b:s31+s4], $0x80, $0x38;
	[tilespmem:$0x18100] =	vst v63  }
0x5d: {  	_ =	swait.ge [sflag:s15], $0x80  }
0x5e: {  	[sflag:s15] =	ssyncset.done $0x0  }
0x5f: {  	[sflag:s15] =	ssyncadd.s32 $0xFFFFFF80  }
0x60: {  	[tilespmem:s14], [sflag:$0x1] =	stream.indirect.gather [hbm4b:s1+s18], $0x80, s16, s18, $0xb8;
	[tilespmem:$0x18100] =	vst v63  }
0x61: {  	_ =	swait.ge [sflag:s15], $0x4000  }
0x62: {  	[sflag:s15] =	ssyncset.done $0x0  }
0x63: {  	[sflag:s15] =	ssyncadd.s32 $0xFFFFC000  }
0x64: {  	[spmem:s3] =	stream.indirect.scatter.add.f32 [tilespmem:s14], [sflag:$0x1], $0x80, s17, s18, $0xb8;
	[tilespmem:$0x18100] =	vst v63  }
0x65: {  	_ =	swait.ge [sflag:s15], $0x4000  }
0x66: {  	s21 =	sadd.s32 $0x1, s21;
	[sflag:s15] =	ssyncset.done $0x0  }
0x67: {  	p0 =	sne.s32 s21, s11;
	[sflag:s15] =	ssyncadd.s32 $0xFFFFC000  }
.Ltmp2:
0x68: {  	[bflag:$0x0] =	sbarrier.arrive $0xFFFF;
	(pc) =	sbr.rel @p0 .LBB2_1-.Ltmp2, $4  }
0x69: {  	[hbm:s10], [sflag:s19] =	dma.local [spmem:s20], $0x2800  }
0x6a: {  	_ =	swait.ge [sflag:s15], $0x2800  }
0x6b: {  	[sflag:s15] =	ssyncset.done $0x0  }
0x6c: {  	[sflag:s15] =	ssyncadd.s32 $0xFFFFD800  }
0x6d: {  	_ =	sfence.sel $0x180000  }
0x6e: {  	[bflag:$0x0] =	sbarrier.arrive $0xFFFF  }
0x6f: {  	p0 =	sne.s32 s0, $0x0;
	_ =	strace $0x9000004A  }
0x70: {  	s0 =	sadd.s32 @!p0 $0x100000, s2;
	[bflag:$0x2] =	sbarrier.arrive $0xFFFF  }
0x71: {  	[sflag:s0] =	ssyncadd.tile.s32 @!p0 $0x1;
	_ =	shalt  }
.Lfunc_end2:
_tile_overlayer_lowered:
.L_overlay_start_2:
0x72: {  	(tag) =	ssettag $0x2  }
0x73: {  	s0 =	rddreg [dreg:$0x0];
	s2 =	stileid.u32  }
0x74: {  	s1 =	rddreg [dreg:$0x1];
	p0 =	sne.s32 s2, $0x0  }
0x75: {  	s3 =	rddreg [dreg:$0x2];
	[bflag:$0x3] =	sbarrier.arrive $0xFFFF;
	s2 =	simm.s32 @!p0 $0x1C01  }
0x76: {  	[timem:s3], [sflag:s2] =	dma.local @!p0 [hbm:s0], s1  }
0x77: {  	s0 =	simm.s32 @!p0 $0x1  }
0x78: {  	_ =	swait.ge @!p0 [sflag:s0], s1  }
0x79: {  	s1 =	ssub.s32 @!p0 $0x0, s1;
	[sflag:s0] =	ssyncset.done @!p0 $0x0  }
0x7a: {  	[sflag:s0] =	ssyncadd.s32 @!p0 s1  }
0x7b: {  	[bflag:$0x3] =	sbarrier.arrive $0xFFFF  }
0x7c: {  	_ =	shalt  }

</sc_bundles>
